<compile_context>
chip_gen: v7x
topology: tpu7x:2x2x1
jax: 0.10.2.dev20260603
libtpu: 0.0.44.dev20260713+nightly
codegen_flags: <defaults>
</compile_context>

<pallas_src>
import functools

import jax
import jax.numpy as jnp
from jax import lax
from jax.experimental import pallas as pl
from jax.experimental.pallas import tpu as pltpu
from jax.experimental.pallas import tpu_sc as plsc

N = 100000
S = 64
L = 16384
EPS = 1e-12
LN2 = 0.6931471805599453
D = 128
NW = 32
CHUNK = L // NW
SUB = 128
LB = 4096
TB = 128


def _log1mexp(x):
    x = jnp.maximum(x, 1e-10)
    em = jnp.where(x < 0.01,
                   x * (1.0 - x * (0.5 - x * (1.0 / 6.0))),
                   1.0 - jnp.exp(-x))
    return jnp.log(em + EPS)


NB = 8192
DW = 72


def _tbuild_body(eps_ref, rsl_ref, rss_ref, eye_ref, out_ref):
    x = jnp.concatenate([eps_ref[...],
                         rsl_ref[...].reshape(1, NB),
                         rss_ref[...].reshape(1, NB)], axis=0)
    out_ref[:, 0:DW] = lax.dot_general(
        x, eye_ref[...],
        dimension_numbers=(((0,), (0,)), ((), ())),
        preferred_element_type=jnp.float32,
        precision=lax.Precision.HIGHEST)


def _build_table(eps_r, rs_loc, rs_scale):
    eye = jnp.eye(S + 2, DW, dtype=jnp.float32)
    return pl.pallas_call(
        _tbuild_body,
        grid=(pl.cdiv(N, NB),),
        in_specs=[
            pl.BlockSpec((S, NB), lambda i: (0, i)),
            pl.BlockSpec((NB,), lambda i: (i,)),
            pl.BlockSpec((NB,), lambda i: (i,)),
            pl.BlockSpec((S + 2, DW), lambda i: (0, 0)),
        ],
        out_specs=pl.BlockSpec((NB, D), lambda i: (i, 0)),
        out_shape=jax.ShapeDtypeStruct((N, D), jnp.float32),
    )(eps_r, rs_loc, rs_scale, eye)


def _sc_gather_body(table_hbm, i1_hbm, i2_hbm, o1_hbm, o2_hbm,
                    idx1_v, idx2_v, rows_v, sem):
    wid = lax.axis_index("s") * 2 + lax.axis_index("c")
    base = wid * CHUNK
    pltpu.sync_copy(i1_hbm.at[pl.ds(base, CHUNK)], idx1_v)
    pltpu.sync_copy(i2_hbm.at[pl.ds(base, CHUNK)], idx2_v)
    copies = []
    for j in range(CHUNK // SUB):
        sl = pl.ds(j * SUB, SUB)
        copies.append(pltpu.async_copy(table_hbm.at[idx1_v.at[sl]],
                                       rows_v.at[sl], sem))
    for cp in copies:
        cp.wait()
    pltpu.sync_copy(rows_v, o1_hbm.at[pl.ds(base, CHUNK)])
    copies = []
    for j in range(CHUNK // SUB):
        sl = pl.ds(j * SUB, SUB)
        copies.append(pltpu.async_copy(table_hbm.at[idx2_v.at[sl]],
                                       rows_v.at[sl], sem))
    for cp in copies:
        cp.wait()
    pltpu.sync_copy(rows_v, o2_hbm.at[pl.ds(base, CHUNK)])


def _sc_gather(table, idx1, idx2):
    mesh = plsc.VectorSubcoreMesh(core_axis_name="c", subcore_axis_name="s")
    f = functools.partial(
        pl.kernel, mesh=mesh,
        out_type=(jax.ShapeDtypeStruct((L, D), jnp.float32),
                  jax.ShapeDtypeStruct((L, D), jnp.float32)),
        scratch_types=[
            pltpu.VMEM((CHUNK,), jnp.int32),
            pltpu.VMEM((CHUNK,), jnp.int32),
            pltpu.VMEM((CHUNK, D), jnp.float32),
            pltpu.SemaphoreType.DMA,
        ],
    )(_sc_gather_body)
    return f(table, idx1, idx2)


def _tc_body(Rc_ref, Rsc_ref, ac_ref, asc_ref, T_ref, epsR_ref, epsA_ref,
             epsT_ref, g1_ref, g2_ref, w_ref, eyeT_ref, out_ref):
    Rc = Rc_ref[0]
    Rsc = Rsc_ref[0]
    ac = ac_ref[0]
    asc = asc_ref[0]
    T0 = T_ref[0]
    T1 = T_ref[1]

    epsR = epsR_ref[...]
    epsA = epsA_ref[...]
    epsT = epsT_ref[...]

    R_s = jnp.exp(Rc) * jnp.exp(Rsc) * jnp.exp(0.1 * epsR)
    alpha_s = jnp.exp(ac) * jnp.exp(asc) * jnp.exp(0.1 * epsA)
    T_x0 = jnp.exp(T0)
    T_x1 = jnp.exp(T1)
    z = epsT + jnp.log(T_x0 / (T_x1 + EPS))
    T_samp = 1.0 / (1.0 + jnp.exp(-z))
    alpha_R = _log1mexp(alpha_s * R_s)
    lt = jnp.log1p(T_samp)

    eps1 = g1_ref[:, 0:S]
    a1 = g1_ref[:, S:S + 1]
    b1 = g1_ref[:, S + 1:S + 2]
    eps2 = g2_ref[:, 0:S]
    a2 = g2_ref[:, S:S + 1]
    b2 = g2_ref[:, S + 1:S + 2]

    s1 = jnp.exp(b1)
    s2 = jnp.exp(b2)
    hi = R_s - EPS
    r_i = jnp.minimum(jnp.maximum(a1 + s1 * eps1, EPS), hi)
    r_j = jnp.minimum(jnp.maximum(a2 + s2 * eps2, EPS), hi)

    alpha_r_i = _log1mexp(2.0 * alpha_s * r_i)
    a_R_ri = -alpha_s * (R_s - r_i)
    a_R_rj = -alpha_s * (R_s - r_j)

    s1e = s1 + EPS
    inv_s1 = 1.0 / s1e
    log_s1 = jnp.log(s1e)
    q = (-0.5 * ((r_i - a1) * inv_s1) ** 2 - log_s1
         - 0.5 * jnp.log(2.0 * jnp.pi))

    wf = w_ref[...].astype(jnp.float32)
    edges = jnp.where(wf > 0, 1.0, 0.0)
    res = (edges * (alpha_r_i + a_R_ri + a_R_rj)
           - alpha_R + q - lt)
    for k in range(LB // TB):
        out_ref[:, k * TB:(k + 1) * TB] = lax.dot_general(
            res[k * TB:(k + 1) * TB, :], eyeT_ref[...],
            dimension_numbers=(((0,), (0,)), ((), ())),
            preferred_element_type=jnp.float32,
            precision=lax.Precision.HIGHEST)


def _tc_compute(Rc, Rsc, ac, asc, T, epsR, epsA, epsT, g1, g2, w2d):
    grid = (L // LB,)
    return pl.pallas_call(
        _tc_body,
        grid=grid,
        in_specs=[
            pl.BlockSpec(memory_space=pltpu.SMEM),
            pl.BlockSpec(memory_space=pltpu.SMEM),
            pl.BlockSpec(memory_space=pltpu.SMEM),
            pl.BlockSpec(memory_space=pltpu.SMEM),
            pl.BlockSpec(memory_space=pltpu.SMEM),
            pl.BlockSpec((1, S), lambda i: (0, 0)),
            pl.BlockSpec((1, S), lambda i: (0, 0)),
            pl.BlockSpec((1, S), lambda i: (0, 0)),
            pl.BlockSpec((LB, D), lambda i: (i, 0)),
            pl.BlockSpec((LB, D), lambda i: (i, 0)),
            pl.BlockSpec((LB, 1), lambda i: (i, 0)),
            pl.BlockSpec((TB, TB), lambda i: (0, 0)),
        ],
        out_specs=pl.BlockSpec((S, LB), lambda i: (0, i)),
        out_shape=jax.ShapeDtypeStruct((S, L), jnp.float32),
    )(Rc, Rsc, ac, asc, T, epsR, epsA, epsT, g1, g2, w2d,
      jnp.eye(TB, TB, dtype=jnp.float32))


def kernel(idx1, idx2, weights, rs_loc, rs_scale, phis_loc, phis_scale,
           R_conc, R_scale, T, alpha_conc, alpha_scale,
           eps_R, eps_T, eps_alpha, eps_r):
    idx1 = idx1.astype(jnp.int32)
    idx2 = idx2.astype(jnp.int32)
    table = _build_table(eps_r, rs_loc, rs_scale)
    g1, g2 = _sc_gather(table, idx1, idx2)
    w2d = weights.astype(jnp.bfloat16)[:, None]
    return _tc_compute(R_conc.reshape(1), R_scale.reshape(1),
                       alpha_conc.reshape(1), alpha_scale.reshape(1), T,
                       eps_R[None, :], eps_alpha[None, :],
                       eps_T[None, :], g1, g2, w2d)

# --- scband reference (transcript-rebuilt; emitter-appended) ---
"""Pipeline reference for scband-vi-hrg-32066225832611 (READ-ONLY COPY).

The authoritative reference and input builder live on the scoring server;
editing this copy changes nothing except your own understanding.
"""

import jax, jax.numpy as jnp
import numpy as np

N = 100000
S = 64
L = 16384
EPS = 1e-12


def log1mexp(x):
    # log(1 - exp(-x)) for x > 0, numerically stable
    x = jnp.clip(x, 1e-10, None)
    return jnp.where(x > 0.6931471805599453,
                     jnp.log1p(-jnp.exp(-x)),
                     jnp.log(-jnp.expm1(-x) + EPS))


def setup_inputs(seed: int = 0):
    key = jax.random.key(seed)
    ks = jax.random.split(key, 16)
    idx1 = jax.random.randint(ks[0], (L,), 0, N)
    idx2 = jax.random.randint(ks[1], (L,), 0, N)
    weights = jax.random.uniform(ks[2], (L,), dtype=jnp.float32)
    rs_loc = jax.random.uniform(ks[3], (N,), dtype=jnp.float32)
    rs_scale = jax.random.uniform(ks[4], (N,), dtype=jnp.float32)
    phis_loc = jax.random.uniform(ks[5], (N, 2), dtype=jnp.float32)
    phis_scale = jax.random.uniform(ks[6], (N,), dtype=jnp.float32)
    R_conc = jax.random.uniform(ks[7], (), dtype=jnp.float32)
    R_scale = jax.random.uniform(ks[8], (), dtype=jnp.float32)
    T = jax.random.uniform(ks[9], (2,), dtype=jnp.float32)
    alpha_conc = jax.random.uniform(ks[10], (), dtype=jnp.float32)
    alpha_scale = jax.random.uniform(ks[11], (), dtype=jnp.float32)
    eps_R = jax.random.normal(ks[12], (S,), dtype=jnp.float32)
    eps_T = jax.random.normal(ks[13], (S,), dtype=jnp.float32)
    eps_alpha = jax.random.normal(ks[14], (S,), dtype=jnp.float32)
    eps_r = jax.random.normal(ks[15], (S, N), dtype=jnp.float32)
    return {"idx1": idx1, "idx2": idx2, "weights": weights,
            "rs_loc": rs_loc, "rs_scale": rs_scale,
            "phis_loc": phis_loc, "phis_scale": phis_scale,
            "R_conc": R_conc, "R_scale": R_scale, "T": T,
            "alpha_conc": alpha_conc, "alpha_scale": alpha_scale,
            "eps_R": eps_R, "eps_T": eps_T, "eps_alpha": eps_alpha,
            "eps_r": eps_r}


def reference(idx1, idx2, weights, rs_loc, rs_scale, phis_loc, phis_scale,
              R_conc, R_scale, T, alpha_conc, alpha_scale,
              eps_R, eps_T, eps_alpha, eps_r):
    # constrained_params()
    r_x_loc = rs_loc
    r_x_scale = jnp.exp(rs_scale)
    R_x_conc = jnp.exp(R_conc)
    R_x_scale = jnp.exp(R_scale)
    T_x = jnp.exp(T)
    alpha_x_conc = jnp.exp(alpha_conc)
    alpha_x_scale = jnp.exp(alpha_scale)
    # edges = 1[weights > 0]
    edges = jnp.where(weights > 0, 1.0, 0.0)
    # reparameterized global samples (fixed noise stands in for rsample)
    R_samples = R_x_conc * R_x_scale * jnp.exp(0.1 * eps_R)            # [S]
    alpha_samples = alpha_x_conc * alpha_x_scale * jnp.exp(0.1 * eps_alpha)  # [S]
    T_samples = jax.nn.sigmoid(eps_T + jnp.log(T_x[0] / (T_x[1] + EPS)))     # [S]
    # Radius rsample: loc-scale noise truncated to (0, R)
    r_samples = jnp.clip(r_x_loc[None, :] + r_x_scale[None, :] * eps_r,
                         EPS, R_samples[:, None] - EPS)                # [S, N]
    # embedding-style gathers over node table by edge endpoints
    r_i = r_samples[:, idx1]                                           # [S, L]
    r_j = r_samples[:, idx2]                                           # [S, L]
    alpha_r_i = log1mexp(2.0 * alpha_samples[:, None] * r_i)           # [S, L]
    alpha_R = log1mexp(alpha_samples * R_samples)                      # [S]
    alpha_R_ri = -alpha_samples[:, None] * (R_samples[:, None] - r_i)  # [S, L]
    alpha_R_rj = -alpha_samples[:, None] * (R_samples[:, None] - r_j)  # [S, L]
    # q_ri = r_q.log_prob(r_samples) (Gaussian base log-density)
    q_ri = (-0.5 * ((r_samples - r_x_loc[None, :]) / (r_x_scale[None, :] + EPS)) ** 2
            - jnp.log(r_x_scale[None, :] + EPS)
            - 0.5 * jnp.log(2.0 * jnp.pi))                             # [S, N]
    q_ri_g = q_ri[:, idx1]                                             # [S, L]
    out = (edges[None, :] * (alpha_r_i + alpha_R_ri + alpha_R_rj)
           - alpha_R[:, None] + q_ri_g - jnp.log1p(T_samples)[:, None])
    return out

if __name__ == "__main__":
    import jax
    _d = setup_inputs()
    print(jax.jit(kernel)(*tuple(_d.values())))

</pallas_src>

<mosaic_0001>
#map = affine_map<(d0, d1) -> (0, 0)>
#map1 = affine_map<(d0, d1) -> (0)>
module attributes {stable_mosaic.version = 14 : i64} {
  func.func @_sc_gather_body(%arg0: i32, %arg1: i32, %arg2: memref<100000x128xf32, #tpu.memory_space<hbm>>, %arg3: memref<16384xi32, #tpu.memory_space<hbm>>, %arg4: memref<16384xi32, #tpu.memory_space<hbm>>, %arg5: memref<16384x128xf32, #tpu.memory_space<hbm>>, %arg6: memref<16384x128xf32, #tpu.memory_space<hbm>>, %arg7: memref<512xi32, #tpu.memory_space<vmem>>, %arg8: memref<512xi32, #tpu.memory_space<vmem>>, %arg9: memref<512x128xf32, #tpu.memory_space<vmem>>, %arg10: memref<!tpu.dma_semaphore, #tpu.memory_space<semaphore_mem>>) attributes {dimension_semantics = [#tpu.dimension_semantics<core_parallel>, #tpu.dimension_semantics<subcore_parallel>], iteration_bounds = array<i64: 2, 16>, scalar_prefetch = 0 : i64, scratch_operands = 4 : i64, tpu.core_type = #tpu.core_type<sc_vector_subcore>, window_params = [{transform_indices = #map}, {transform_indices = #map1}, {transform_indices = #map1}, {transform_indices = #map}, {transform_indices = #map}]} {
    %mul3A = arith.constant 2 : i32
    %mul3A_0 = arith.muli %arg1, %mul3A : i32
    %add3A = arith.addi %mul3A_0, %arg0 : i32
    %mul3A_1 = arith.constant 512 : i32
    %mul3A_2 = arith.muli %add3A, %mul3A_1 : i32
    "tpu.region"() ({
      %run_scoped3A = tpu.sem_alloc : memref<!tpu.dma_semaphore, #tpu.memory_space<semaphore_mem>>
      %dma_start3A_129 = tpu.memref_slice %arg3[%mul3A_2] : memref<16384xi32, #tpu.memory_space<hbm>> -> memref<512xi32, #tpu.memory_space<hbm>>
      %dma_start3A_130 = tpu.memref_slice %arg3[%mul3A_2] : memref<16384xi32, #tpu.memory_space<hbm>> -> memref<512xi32, #tpu.memory_space<hbm>>
      tpu.enqueue_dma source(%dma_start3A_130 : memref<512xi32, #tpu.memory_space<hbm>>) target(%arg7 : memref<512xi32, #tpu.memory_space<vmem>>) target_semaphore(%run_scoped3A : memref<!tpu.dma_semaphore, #tpu.memory_space<semaphore_mem>>)
      %dma_wait3A_131 = tpu.memref_slice %arg3[%mul3A_2] : memref<16384xi32, #tpu.memory_space<hbm>> -> memref<512xi32, #tpu.memory_space<hbm>>
      %dma_wait3A_132 = tpu.memref_slice %arg3[%mul3A_2] : memref<16384xi32, #tpu.memory_space<hbm>> -> memref<512xi32, #tpu.memory_space<hbm>>
      tpu.wait_dma2 semaphore(%run_scoped3A : memref<!tpu.dma_semaphore, #tpu.memory_space<semaphore_mem>>) src(%dma_wait3A_132 : memref<512xi32, #tpu.memory_space<hbm>>) dst(%arg7 : memref<512xi32, #tpu.memory_space<vmem>>)
      tpu.yield
    }) : () -> ()
    "tpu.region"() ({
      %run_scoped3A = tpu.sem_alloc : memref<!tpu.dma_semaphore, #tpu.memory_space<semaphore_mem>>
      %dma_start3A_129 = tpu.memref_slice %arg4[%mul3A_2] : memref<16384xi32, #tpu.memory_space<hbm>> -> memref<512xi32, #tpu.memory_space<hbm>>
      %dma_start3A_130 = tpu.memref_slice %arg4[%mul3A_2] : memref<16384xi32, #tpu.memory_space<hbm>> -> memref<512xi32, #tpu.memory_space<hbm>>
      tpu.enqueue_dma source(%dma_start3A_130 : memref<512xi32, #tpu.memory_space<hbm>>) target(%arg8 : memref<512xi32, #tpu.memory_space<vmem>>) target_semaphore(%run_scoped3A : memref<!tpu.dma_semaphore, #tpu.memory_space<semaphore_mem>>)
      %dma_wait3A_131 = tpu.memref_slice %arg4[%mul3A_2] : memref<16384xi32, #tpu.memory_space<hbm>> -> memref<512xi32, #tpu.memory_space<hbm>>
      %dma_wait3A_132 = tpu.memref_slice %arg4[%mul3A_2] : memref<16384xi32, #tpu.memory_space<hbm>> -> memref<512xi32, #tpu.memory_space<hbm>>
      tpu.wait_dma2 semaphore(%run_scoped3A : memref<!tpu.dma_semaphore, #tpu.memory_space<semaphore_mem>>) src(%dma_wait3A_132 : memref<512xi32, #tpu.memory_space<hbm>>) dst(%arg8 : memref<512xi32, #tpu.memory_space<vmem>>)
      tpu.yield
    }) : () -> ()
    %dma_start3A = arith.constant 0 : i32
    %dma_start3A_3 = arith.constant 0 : i32
    %dma_start3A_4 = tpu.memref_slice %arg9[%dma_start3A, %dma_start3A_3] : memref<512x128xf32, #tpu.memory_space<vmem>> -> memref<128x128xf32, #tpu.memory_space<vmem>>
    %dma_start3A_5 = arith.constant 0 : i32
    %dma_start3A_6 = tpu.memref_slice %arg7[%dma_start3A_5] : memref<512xi32, #tpu.memory_space<vmem>> -> memref<128xi32, #tpu.memory_space<vmem>>
    %dma_start3A_7 = arith.constant 0 : i32
    %dma_start3A_8 = arith.constant 0 : i32
    %dma_start3A_9 = tpu.memref_slice %arg2[%dma_start3A_7, %dma_start3A_8] : memref<100000x128xf32, #tpu.memory_space<hbm>> -> memref<100000x128xf32, #tpu.memory_space<hbm>>
    tpu.enqueue_indirect_dma source(%dma_start3A_9 : memref<100000x128xf32, #tpu.memory_space<hbm>>) target(%dma_start3A_4 : memref<128x128xf32, #tpu.memory_space<vmem>>) offsets(%dma_start3A_6 : memref<128xi32, #tpu.memory_space<vmem>>) semaphore(%arg10 : memref<!tpu.dma_semaphore, #tpu.memory_space<semaphore_mem>>)
    %dma_start3A_10 = arith.constant 128 : i32
    %dma_start3A_11 = arith.constant 0 : i32
    %dma_start3A_12 = tpu.memref_slice %arg9[%dma_start3A_10, %dma_start3A_11] : memref<512x128xf32, #tpu.memory_space<vmem>> -> memref<128x128xf32, #tpu.memory_space<vmem>>
    %dma_start3A_13 = arith.constant 128 : i32
    %dma_start3A_14 = tpu.memref_slice %arg7[%dma_start3A_13] : memref<512xi32, #tpu.memory_space<vmem>> -> memref<128xi32, #tpu.memory_space<vmem>>
    %dma_start3A_15 = arith.constant 0 : i32
    %dma_start3A_16 = arith.constant 0 : i32
    %dma_start3A_17 = tpu.memref_slice %arg2[%dma_start3A_15, %dma_start3A_16] : memref<100000x128xf32, #tpu.memory_space<hbm>> -> memref<100000x128xf32, #tpu.memory_space<hbm>>
    tpu.enqueue_indirect_dma source(%dma_start3A_17 : memref<100000x128xf32, #tpu.memory_space<hbm>>) target(%dma_start3A_12 : memref<128x128xf32, #tpu.memory_space<vmem>>) offsets(%dma_start3A_14 : memref<128xi32, #tpu.memory_space<vmem>>) semaphore(%arg10 : memref<!tpu.dma_semaphore, #tpu.memory_space<semaphore_mem>>)
    %dma_start3A_18 = arith.constant 256 : i32
    %dma_start3A_19 = arith.constant 0 : i32
    %dma_start3A_20 = tpu.memref_slice %arg9[%dma_start3A_18, %dma_start3A_19] : memref<512x128xf32, #tpu.memory_space<vmem>> -> memref<128x128xf32, #tpu.memory_space<vmem>>
    %dma_start3A_21 = arith.constant 256 : i32
    %dma_start3A_22 = tpu.memref_slice %arg7[%dma_start3A_21] : memref<512xi32, #tpu.memory_space<vmem>> -> memref<128xi32, #tpu.memory_space<vmem>>
    %dma_start3A_23 = arith.constant 0 : i32
    %dma_start3A_24 = arith.constant 0 : i32
    %dma_start3A_25 = tpu.memref_slice %arg2[%dma_start3A_23, %dma_start3A_24] : memref<100000x128xf32, #tpu.memory_space<hbm>> -> memref<100000x128xf32, #tpu.memory_space<hbm>>
    tpu.enqueue_indirect_dma source(%dma_start3A_25 : memref<100000x128xf32, #tpu.memory_space<hbm>>) target(%dma_start3A_20 : memref<128x128xf32, #tpu.memory_space<vmem>>) offsets(%dma_start3A_22 : memref<128xi32, #tpu.memory_space<vmem>>) semaphore(%arg10 : memref<!tpu.dma_semaphore, #tpu.memory_space<semaphore_mem>>)
    %dma_start3A_26 = arith.constant 384 : i32
    %dma_start3A_27 = arith.constant 0 : i32
    %dma_start3A_28 = tpu.memref_slice %arg9[%dma_start3A_26, %dma_start3A_27] : memref<512x128xf32, #tpu.memory_space<vmem>> -> memref<128x128xf32, #tpu.memory_space<vmem>>
    %dma_start3A_29 = arith.constant 384 : i32
    %dma_start3A_30 = tpu.memref_slice %arg7[%dma_start3A_29] : memref<512xi32, #tpu.memory_space<vmem>> -> memref<128xi32, #tpu.memory_space<vmem>>
    %dma_start3A_31 = arith.constant 0 : i32
    %dma_start3A_32 = arith.constant 0 : i32
    %dma_start3A_33 = tpu.memref_slice %arg2[%dma_start3A_31, %dma_start3A_32] : memref<100000x128xf32, #tpu.memory_space<hbm>> -> memref<100000x128xf32, #tpu.memory_space<hbm>>
    tpu.enqueue_indirect_dma source(%dma_start3A_33 : memref<100000x128xf32, #tpu.memory_space<hbm>>) target(%dma_start3A_28 : memref<128x128xf32, #tpu.memory_space<vmem>>) offsets(%dma_start3A_30 : memref<128xi32, #tpu.memory_space<vmem>>) semaphore(%arg10 : memref<!tpu.dma_semaphore, #tpu.memory_space<semaphore_mem>>)
    %dma_wait3A = arith.constant 0 : i32
    %dma_wait3A_34 = arith.constant 0 : i32
    %dma_wait3A_35 = tpu.memref_slice %arg9[%dma_wait3A, %dma_wait3A_34] : memref<512x128xf32, #tpu.memory_space<vmem>> -> memref<128x128xf32, #tpu.memory_space<vmem>>
    %dma_wait3A_36 = arith.constant 0 : i32
    %dma_wait3A_37 = tpu.memref_slice %arg7[%dma_wait3A_36] : memref<512xi32, #tpu.memory_space<vmem>> -> memref<128xi32, #tpu.memory_space<vmem>>
    %dma_wait3A_38 = arith.constant 0 : i32
    %dma_wait3A_39 = arith.constant 0 : i32
    %dma_wait3A_40 = tpu.memref_slice %arg2[%dma_wait3A_38, %dma_wait3A_39] : memref<100000x128xf32, #tpu.memory_space<hbm>> -> memref<100000x128xf32, #tpu.memory_space<hbm>>
    tpu.wait_indirect_dma semaphore(%arg10 : memref<!tpu.dma_semaphore, #tpu.memory_space<semaphore_mem>>) src(%dma_wait3A_40 : memref<100000x128xf32, #tpu.memory_space<hbm>>) dst(%dma_wait3A_35 : memref<128x128xf32, #tpu.memory_space<vmem>>)
    %dma_wait3A_41 = arith.constant 128 : i32
    %dma_wait3A_42 = arith.constant 0 : i32
    %dma_wait3A_43 = tpu.memref_slice %arg9[%dma_wait3A_41, %dma_wait3A_42] : memref<512x128xf32, #tpu.memory_space<vmem>> -> memref<128x128xf32, #tpu.memory_space<vmem>>
    %dma_wait3A_44 = arith.constant 128 : i32
    %dma_wait3A_45 = tpu.memref_slice %arg7[%dma_wait3A_44] : memref<512xi32, #tpu.memory_space<vmem>> -> memref<128xi32, #tpu.memory_space<vmem>>
    %dma_wait3A_46 = arith.constant 0 : i32
    %dma_wait3A_47 = arith.constant 0 : i32
    %dma_wait3A_48 = tpu.memref_slice %arg2[%dma_wait3A_46, %dma_wait3A_47] : memref<100000x128xf32, #tpu.memory_space<hbm>> -> memref<100000x128xf32, #tpu.memory_space<hbm>>
    tpu.wait_indirect_dma semaphore(%arg10 : memref<!tpu.dma_semaphore, #tpu.memory_space<semaphore_mem>>) src(%dma_wait3A_48 : memref<100000x128xf32, #tpu.memory_space<hbm>>) dst(%dma_wait3A_43 : memref<128x128xf32, #tpu.memory_space<vmem>>)
    %dma_wait3A_49 = arith.constant 256 : i32
    %dma_wait3A_50 = arith.constant 0 : i32
    %dma_wait3A_51 = tpu.memref_slice %arg9[%dma_wait3A_49, %dma_wait3A_50] : memref<512x128xf32, #tpu.memory_space<vmem>> -> memref<128x128xf32, #tpu.memory_space<vmem>>
    %dma_wait3A_52 = arith.constant 256 : i32
    %dma_wait3A_53 = tpu.memref_slice %arg7[%dma_wait3A_52] : memref<512xi32, #tpu.memory_space<vmem>> -> memref<128xi32, #tpu.memory_space<vmem>>
    %dma_wait3A_54 = arith.constant 0 : i32
    %dma_wait3A_55 = arith.constant 0 : i32
    %dma_wait3A_56 = tpu.memref_slice %arg2[%dma_wait3A_54, %dma_wait3A_55] : memref<100000x128xf32, #tpu.memory_space<hbm>> -> memref<100000x128xf32, #tpu.memory_space<hbm>>
    tpu.wait_indirect_dma semaphore(%arg10 : memref<!tpu.dma_semaphore, #tpu.memory_space<semaphore_mem>>) src(%dma_wait3A_56 : memref<100000x128xf32, #tpu.memory_space<hbm>>) dst(%dma_wait3A_51 : memref<128x128xf32, #tpu.memory_space<vmem>>)
    %dma_wait3A_57 = arith.constant 384 : i32
    %dma_wait3A_58 = arith.constant 0 : i32
    %dma_wait3A_59 = tpu.memref_slice %arg9[%dma_wait3A_57, %dma_wait3A_58] : memref<512x128xf32, #tpu.memory_space<vmem>> -> memref<128x128xf32, #tpu.memory_space<vmem>>
    %dma_wait3A_60 = arith.constant 384 : i32
    %dma_wait3A_61 = tpu.memref_slice %arg7[%dma_wait3A_60] : memref<512xi32, #tpu.memory_space<vmem>> -> memref<128xi32, #tpu.memory_space<vmem>>
    %dma_wait3A_62 = arith.constant 0 : i32
    %dma_wait3A_63 = arith.constant 0 : i32
    %dma_wait3A_64 = tpu.memref_slice %arg2[%dma_wait3A_62, %dma_wait3A_63] : memref<100000x128xf32, #tpu.memory_space<hbm>> -> memref<100000x128xf32, #tpu.memory_space<hbm>>
    tpu.wait_indirect_dma semaphore(%arg10 : memref<!tpu.dma_semaphore, #tpu.memory_space<semaphore_mem>>) src(%dma_wait3A_64 : memref<100000x128xf32, #tpu.memory_space<hbm>>) dst(%dma_wait3A_59 : memref<128x128xf32, #tpu.memory_space<vmem>>)
    "tpu.region"() ({
      %run_scoped3A = tpu.sem_alloc : memref<!tpu.dma_semaphore, #tpu.memory_space<semaphore_mem>>
      %dma_start3A_129 = arith.constant 0 : i32
      %dma_start3A_130 = tpu.memref_slice %arg5[%mul3A_2, %dma_start3A_129] : memref<16384x128xf32, #tpu.memory_space<hbm>> -> memref<512x128xf32, #tpu.memory_space<hbm>>
      %dma_start3A_131 = arith.constant 0 : i32
      %dma_start3A_132 = tpu.memref_slice %arg5[%mul3A_2, %dma_start3A_131] : memref<16384x128xf32, #tpu.memory_space<hbm>> -> memref<512x128xf32, #tpu.memory_space<hbm>>
      tpu.enqueue_dma source(%arg9 : memref<512x128xf32, #tpu.memory_space<vmem>>) target(%dma_start3A_132 : memref<512x128xf32, #tpu.memory_space<hbm>>) target_semaphore(%run_scoped3A : memref<!tpu.dma_semaphore, #tpu.memory_space<semaphore_mem>>)
      %dma_wait3A_133 = arith.constant 0 : i32
      %dma_wait3A_134 = tpu.memref_slice %arg5[%mul3A_2, %dma_wait3A_133] : memref<16384x128xf32, #tpu.memory_space<hbm>> -> memref<512x128xf32, #tpu.memory_space<hbm>>
      %dma_wait3A_135 = arith.constant 0 : i32
      %dma_wait3A_136 = tpu.memref_slice %arg5[%mul3A_2, %dma_wait3A_135] : memref<16384x128xf32, #tpu.memory_space<hbm>> -> memref<512x128xf32, #tpu.memory_space<hbm>>
      tpu.wait_dma2 semaphore(%run_scoped3A : memref<!tpu.dma_semaphore, #tpu.memory_space<semaphore_mem>>) src(%arg9 : memref<512x128xf32, #tpu.memory_space<vmem>>) dst(%dma_wait3A_136 : memref<512x128xf32, #tpu.memory_space<hbm>>)
      tpu.yield
    }) : () -> ()
    %dma_start3A_65 = arith.constant 0 : i32
    %dma_start3A_66 = arith.constant 0 : i32
    %dma_start3A_67 = tpu.memref_slice %arg9[%dma_start3A_65, %dma_start3A_66] : memref<512x128xf32, #tpu.memory_space<vmem>> -> memref<128x128xf32, #tpu.memory_space<vmem>>
    %dma_start3A_68 = arith.constant 0 : i32
    %dma_start3A_69 = tpu.memref_slice %arg8[%dma_start3A_68] : memref<512xi32, #tpu.memory_space<vmem>> -> memref<128xi32, #tpu.memory_space<vmem>>
    %dma_start3A_70 = arith.constant 0 : i32
    %dma_start3A_71 = arith.constant 0 : i32
    %dma_start3A_72 = tpu.memref_slice %arg2[%dma_start3A_70, %dma_start3A_71] : memref<100000x128xf32, #tpu.memory_space<hbm>> -> memref<100000x128xf32, #tpu.memory_space<hbm>>
    tpu.enqueue_indirect_dma source(%dma_start3A_72 : memref<100000x128xf32, #tpu.memory_space<hbm>>) target(%dma_start3A_67 : memref<128x128xf32, #tpu.memory_space<vmem>>) offsets(%dma_start3A_69 : memref<128xi32, #tpu.memory_space<vmem>>) semaphore(%arg10 : memref<!tpu.dma_semaphore, #tpu.memory_space<semaphore_mem>>)
    %dma_start3A_73 = arith.constant 128 : i32
    %dma_start3A_74 = arith.constant 0 : i32
    %dma_start3A_75 = tpu.memref_slice %arg9[%dma_start3A_73, %dma_start3A_74] : memref<512x128xf32, #tpu.memory_space<vmem>> -> memref<128x128xf32, #tpu.memory_space<vmem>>
    %dma_start3A_76 = arith.constant 128 : i32
    %dma_start3A_77 = tpu.memref_slice %arg8[%dma_start3A_76] : memref<512xi32, #tpu.memory_space<vmem>> -> memref<128xi32, #tpu.memory_space<vmem>>
    %dma_start3A_78 = arith.constant 0 : i32
    %dma_start3A_79 = arith.constant 0 : i32
    %dma_start3A_80 = tpu.memref_slice %arg2[%dma_start3A_78, %dma_start3A_79] : memref<100000x128xf32, #tpu.memory_space<hbm>> -> memref<100000x128xf32, #tpu.memory_space<hbm>>
    tpu.enqueue_indirect_dma source(%dma_start3A_80 : memref<100000x128xf32, #tpu.memory_space<hbm>>) target(%dma_start3A_75 : memref<128x128xf32, #tpu.memory_space<vmem>>) offsets(%dma_start3A_77 : memref<128xi32, #tpu.memory_space<vmem>>) semaphore(%arg10 : memref<!tpu.dma_semaphore, #tpu.memory_space<semaphore_mem>>)
    %dma_start3A_81 = arith.constant 256 : i32
    %dma_start3A_82 = arith.constant 0 : i32
    %dma_start3A_83 = tpu.memref_slice %arg9[%dma_start3A_81, %dma_start3A_82] : memref<512x128xf32, #tpu.memory_space<vmem>> -> memref<128x128xf32, #tpu.memory_space<vmem>>
    %dma_start3A_84 = arith.constant 256 : i32
    %dma_start3A_85 = tpu.memref_slice %arg8[%dma_start3A_84] : memref<512xi32, #tpu.memory_space<vmem>> -> memref<128xi32, #tpu.memory_space<vmem>>
    %dma_start3A_86 = arith.constant 0 : i32
    %dma_start3A_87 = arith.constant 0 : i32
    %dma_start3A_88 = tpu.memref_slice %arg2[%dma_start3A_86, %dma_start3A_87] : memref<100000x128xf32, #tpu.memory_space<hbm>> -> memref<100000x128xf32, #tpu.memory_space<hbm>>
    tpu.enqueue_indirect_dma source(%dma_start3A_88 : memref<100000x128xf32, #tpu.memory_space<hbm>>) target(%dma_start3A_83 : memref<128x128xf32, #tpu.memory_space<vmem>>) offsets(%dma_start3A_85 : memref<128xi32, #tpu.memory_space<vmem>>) semaphore(%arg10 : memref<!tpu.dma_semaphore, #tpu.memory_space<semaphore_mem>>)
    %dma_start3A_89 = arith.constant 384 : i32
    %dma_start3A_90 = arith.constant 0 : i32
    %dma_start3A_91 = tpu.memref_slice %arg9[%dma_start3A_89, %dma_start3A_90] : memref<512x128xf32, #tpu.memory_space<vmem>> -> memref<128x128xf32, #tpu.memory_space<vmem>>
    %dma_start3A_92 = arith.constant 384 : i32
    %dma_start3A_93 = tpu.memref_slice %arg8[%dma_start3A_92] : memref<512xi32, #tpu.memory_space<vmem>> -> memref<128xi32, #tpu.memory_space<vmem>>
    %dma_start3A_94 = arith.constant 0 : i32
    %dma_start3A_95 = arith.constant 0 : i32
    %dma_start3A_96 = tpu.memref_slice %arg2[%dma_start3A_94, %dma_start3A_95] : memref<100000x128xf32, #tpu.memory_space<hbm>> -> memref<100000x128xf32, #tpu.memory_space<hbm>>
    tpu.enqueue_indirect_dma source(%dma_start3A_96 : memref<100000x128xf32, #tpu.memory_space<hbm>>) target(%dma_start3A_91 : memref<128x128xf32, #tpu.memory_space<vmem>>) offsets(%dma_start3A_93 : memref<128xi32, #tpu.memory_space<vmem>>) semaphore(%arg10 : memref<!tpu.dma_semaphore, #tpu.memory_space<semaphore_mem>>)
    %dma_wait3A_97 = arith.constant 0 : i32
    %dma_wait3A_98 = arith.constant 0 : i32
    %dma_wait3A_99 = tpu.memref_slice %arg9[%dma_wait3A_97, %dma_wait3A_98] : memref<512x128xf32, #tpu.memory_space<vmem>> -> memref<128x128xf32, #tpu.memory_space<vmem>>
    %dma_wait3A_100 = arith.constant 0 : i32
    %dma_wait3A_101 = tpu.memref_slice %arg8[%dma_wait3A_100] : memref<512xi32, #tpu.memory_space<vmem>> -> memref<128xi32, #tpu.memory_space<vmem>>
    %dma_wait3A_102 = arith.constant 0 : i32
    %dma_wait3A_103 = arith.constant 0 : i32
    %dma_wait3A_104 = tpu.memref_slice %arg2[%dma_wait3A_102, %dma_wait3A_103] : memref<100000x128xf32, #tpu.memory_space<hbm>> -> memref<100000x128xf32, #tpu.memory_space<hbm>>
    tpu.wait_indirect_dma semaphore(%arg10 : memref<!tpu.dma_semaphore, #tpu.memory_space<semaphore_mem>>) src(%dma_wait3A_104 : memref<100000x128xf32, #tpu.memory_space<hbm>>) dst(%dma_wait3A_99 : memref<128x128xf32, #tpu.memory_space<vmem>>)
    %dma_wait3A_105 = arith.constant 128 : i32
    %dma_wait3A_106 = arith.constant 0 : i32
    %dma_wait3A_107 = tpu.memref_slice %arg9[%dma_wait3A_105, %dma_wait3A_106] : memref<512x128xf32, #tpu.memory_space<vmem>> -> memref<128x128xf32, #tpu.memory_space<vmem>>
    %dma_wait3A_108 = arith.constant 128 : i32
    %dma_wait3A_109 = tpu.memref_slice %arg8[%dma_wait3A_108] : memref<512xi32, #tpu.memory_space<vmem>> -> memref<128xi32, #tpu.memory_space<vmem>>
    %dma_wait3A_110 = arith.constant 0 : i32
    %dma_wait3A_111 = arith.constant 0 : i32
    %dma_wait3A_112 = tpu.memref_slice %arg2[%dma_wait3A_110, %dma_wait3A_111] : memref<100000x128xf32, #tpu.memory_space<hbm>> -> memref<100000x128xf32, #tpu.memory_space<hbm>>
    tpu.wait_indirect_dma semaphore(%arg10 : memref<!tpu.dma_semaphore, #tpu.memory_space<semaphore_mem>>) src(%dma_wait3A_112 : memref<100000x128xf32, #tpu.memory_space<hbm>>) dst(%dma_wait3A_107 : memref<128x128xf32, #tpu.memory_space<vmem>>)
    %dma_wait3A_113 = arith.constant 256 : i32
    %dma_wait3A_114 = arith.constant 0 : i32
    %dma_wait3A_115 = tpu.memref_slice %arg9[%dma_wait3A_113, %dma_wait3A_114] : memref<512x128xf32, #tpu.memory_space<vmem>> -> memref<128x128xf32, #tpu.memory_space<vmem>>
    %dma_wait3A_116 = arith.constant 256 : i32
    %dma_wait3A_117 = tpu.memref_slice %arg8[%dma_wait3A_116] : memref<512xi32, #tpu.memory_space<vmem>> -> memref<128xi32, #tpu.memory_space<vmem>>
    %dma_wait3A_118 = arith.constant 0 : i32
    %dma_wait3A_119 = arith.constant 0 : i32
    %dma_wait3A_120 = tpu.memref_slice %arg2[%dma_wait3A_118, %dma_wait3A_119] : memref<100000x128xf32, #tpu.memory_space<hbm>> -> memref<100000x128xf32, #tpu.memory_space<hbm>>
    tpu.wait_indirect_dma semaphore(%arg10 : memref<!tpu.dma_semaphore, #tpu.memory_space<semaphore_mem>>) src(%dma_wait3A_120 : memref<100000x128xf32, #tpu.memory_space<hbm>>) dst(%dma_wait3A_115 : memref<128x128xf32, #tpu.memory_space<vmem>>)
    %dma_wait3A_121 = arith.constant 384 : i32
    %dma_wait3A_122 = arith.constant 0 : i32
    %dma_wait3A_123 = tpu.memref_slice %arg9[%dma_wait3A_121, %dma_wait3A_122] : memref<512x128xf32, #tpu.memory_space<vmem>> -> memref<128x128xf32, #tpu.memory_space<vmem>>
    %dma_wait3A_124 = arith.constant 384 : i32
    %dma_wait3A_125 = tpu.memref_slice %arg8[%dma_wait3A_124] : memref<512xi32, #tpu.memory_space<vmem>> -> memref<128xi32, #tpu.memory_space<vmem>>
    %dma_wait3A_126 = arith.constant 0 : i32
    %dma_wait3A_127 = arith.constant 0 : i32
    %dma_wait3A_128 = tpu.memref_slice %arg2[%dma_wait3A_126, %dma_wait3A_127] : memref<100000x128xf32, #tpu.memory_space<hbm>> -> memref<100000x128xf32, #tpu.memory_space<hbm>>
    tpu.wait_indirect_dma semaphore(%arg10 : memref<!tpu.dma_semaphore, #tpu.memory_space<semaphore_mem>>) src(%dma_wait3A_128 : memref<100000x128xf32, #tpu.memory_space<hbm>>) dst(%dma_wait3A_123 : memref<128x128xf32, #tpu.memory_space<vmem>>)
    "tpu.region"() ({
      %run_scoped3A = tpu.sem_alloc : memref<!tpu.dma_semaphore, #tpu.memory_space<semaphore_mem>>
      %dma_start3A_129 = arith.constant 0 : i32
      %dma_start3A_130 = tpu.memref_slice %arg6[%mul3A_2, %dma_start3A_129] : memref<16384x128xf32, #tpu.memory_space<hbm>> -> memref<512x128xf32, #tpu.memory_space<hbm>>
      %dma_start3A_131 = arith.constant 0 : i32
      %dma_start3A_132 = tpu.memref_slice %arg6[%mul3A_2, %dma_start3A_131] : memref<16384x128xf32, #tpu.memory_space<hbm>> -> memref<512x128xf32, #tpu.memory_space<hbm>>
      tpu.enqueue_dma source(%arg9 : memref<512x128xf32, #tpu.memory_space<vmem>>) target(%dma_start3A_132 : memref<512x128xf32, #tpu.memory_space<hbm>>) target_semaphore(%run_scoped3A : memref<!tpu.dma_semaphore, #tpu.memory_space<semaphore_mem>>)
      %dma_wait3A_133 = arith.constant 0 : i32
      %dma_wait3A_134 = tpu.memref_slice %arg6[%mul3A_2, %dma_wait3A_133] : memref<16384x128xf32, #tpu.memory_space<hbm>> -> memref<512x128xf32, #tpu.memory_space<hbm>>
      %dma_wait3A_135 = arith.constant 0 : i32
      %dma_wait3A_136 = tpu.memref_slice %arg6[%mul3A_2, %dma_wait3A_135] : memref<16384x128xf32, #tpu.memory_space<hbm>> -> memref<512x128xf32, #tpu.memory_space<hbm>>
      tpu.wait_dma2 semaphore(%run_scoped3A : memref<!tpu.dma_semaphore, #tpu.memory_space<semaphore_mem>>) src(%arg9 : memref<512x128xf32, #tpu.memory_space<vmem>>) dst(%dma_wait3A_136 : memref<512x128xf32, #tpu.memory_space<hbm>>)
      tpu.yield
    }) : () -> ()
    return
  }
}

module attributes {stable_mosaic.version = 14 : i64} {
  func.func @_tbuild_body(%arg0: i32, %arg1: memref<64x8192xf32, #tpu.memory_space<vmem>>, %arg2: memref<8192xf32, #tpu.memory_space<vmem>>, %arg3: memref<8192xf32, #tpu.memory_space<vmem>>, %arg4: memref<66x72xf32, #tpu.memory_space<vmem>>, %arg5: memref<8192x128xf32, #tpu.memory_space<vmem>>) attributes {dimension_semantics = [#tpu.dimension_semantics<arbitrary>], iteration_bounds = array<i64: 13>, scalar_prefetch = 0 : i64, scratch_operands = 0 : i64, tpu.core_type = #tpu.core_type<tc>, window_params = [{transform_indices = @transform_0, window_bounds = array<i64: 64, 8192>}, {transform_indices = @transform_1, window_bounds = array<i64: 8192>}, {transform_indices = @transform_2, window_bounds = array<i64: 8192>}, {pipeline_mode = #tpu.pipeline_mode<synchronous>, transform_indices = @transform_3, window_bounds = array<i64: 66, 72>}, {transform_indices = @transform_4, window_bounds = array<i64: 8192, 128>}]} {
    %get3A = arith.constant 0 : index
    %get3A_0 = arith.constant 0 : index
    %get3A_1 = vector.load %arg1[%get3A, %get3A_0] : memref<64x8192xf32, #tpu.memory_space<vmem>>, vector<64x8192xf32>
    %get3A_2 = arith.constant 0 : index
    %get3A_3 = vector.load %arg2[%get3A_2] : memref<8192xf32, #tpu.memory_space<vmem>>, vector<8192xf32>
    %reshape3A = vector.shape_cast %get3A_3 : vector<8192xf32> to vector<1x8192xf32>
    %get3A_4 = arith.constant 0 : index
    %get3A_5 = vector.load %arg3[%get3A_4] : memref<8192xf32, #tpu.memory_space<vmem>>, vector<8192xf32>
    %reshape3A_6 = vector.shape_cast %get3A_5 : vector<8192xf32> to vector<1x8192xf32>
    %concatenate3A = tpu.concatenate %get3A_1, %reshape3A, %reshape3A_6 in 0 : vector<64x8192xf32>, vector<1x8192xf32>, vector<1x8192xf32> -> vector<66x8192xf32>
    %get3A_7 = arith.constant 0 : index
    %get3A_8 = arith.constant 0 : index
    %get3A_9 = vector.load %arg4[%get3A_7, %get3A_8] : memref<66x72xf32, #tpu.memory_space<vmem>>, vector<66x72xf32>
    %dot_general3A = arith.constant dense<0.000000e+00> : vector<8192x72xf32>
    %dot_general3A_10 = tpu.matmul %concatenate3A, %get3A_9, %dot_general3A {dimension_numbers = #tpu.dot_dimension_numbers<[0], [0], [1], [1], [0, 1, 1, 1], [], []>, precision = #tpu.contract_precision<fp32>, transpose_lhs_hint = false} : vector<66x8192xf32>, vector<66x72xf32>, vector<8192x72xf32> -> vector<8192x72xf32>
    %swap3A = arith.constant 0 : index
    %swap3A_11 = arith.constant 0 : index
    %swap3A_12 = vector.load %arg5[%swap3A, %swap3A_11] : memref<8192x128xf32, #tpu.memory_space<vmem>>, vector<8192x72xf32>
    tpu.vector_store %arg5[%swap3A, %swap3A_11], %dot_general3A_10 {strides = array<i32>} : memref<8192x128xf32, #tpu.memory_space<vmem>>, vector<8192x72xf32>,
    return
  }
  func.func @transform_0(%arg0: i32) -> (i32, i32) {
    %c0_i32 = arith.constant 0 : i32
    %c0_i32_0 = arith.constant 0 : i32
    return %c0_i32, %arg0 : i32, i32
  }
  func.func @transform_1(%arg0: i32) -> i32 {
    %c0_i32 = arith.constant 0 : i32
    return %arg0 : i32
  }
  func.func @transform_2(%arg0: i32) -> i32 {
    %c0_i32 = arith.constant 0 : i32
    return %arg0 : i32
  }
  func.func @transform_3(%arg0: i32) -> (i32, i32) {
    %c0_i32 = arith.constant 0 : i32
    %c0_i32_0 = arith.constant 0 : i32
    %c0_i32_1 = arith.constant 0 : i32
    return %c0_i32, %c0_i32_0 : i32, i32
  }
  func.func @transform_4(%arg0: i32) -> (i32, i32) {
    %c0_i32 = arith.constant 0 : i32
    %c0_i32_0 = arith.constant 0 : i32
    return %arg0, %c0_i32 : i32, i32
  }
}

module attributes {stable_mosaic.version = 14 : i64} {
  func.func @_tc_body(%arg0: i32, %arg1: memref<1xf32, #tpu.memory_space<smem>>, %arg2: memref<1xf32, #tpu.memory_space<smem>>, %arg3: memref<1xf32, #tpu.memory_space<smem>>, %arg4: memref<1xf32, #tpu.memory_space<smem>>, %arg5: memref<2xf32, #tpu.memory_space<smem>>, %arg6: memref<1x64xf32, #tpu.memory_space<vmem>>, %arg7: memref<1x64xf32, #tpu.memory_space<vmem>>, %arg8: memref<1x64xf32, #tpu.memory_space<vmem>>, %arg9: memref<4096x128xf32, #tpu.memory_space<vmem>>, %arg10: memref<4096x128xf32, #tpu.memory_space<vmem>>, %arg11: memref<4096x1xbf16, #tpu.memory_space<vmem>>, %arg12: memref<128x128xf32, #tpu.memory_space<vmem>>, %arg13: memref<64x4096xf32, #tpu.memory_space<vmem>>) attributes {dimension_semantics = [#tpu.dimension_semantics<arbitrary>], iteration_bounds = array<i64: 4>, scalar_prefetch = 0 : i64, scratch_operands = 0 : i64, tpu.core_type = #tpu.core_type<tc>, window_params = [{transform_indices = @transform_0, window_bounds = array<i64: 1>}, {transform_indices = @transform_1, window_bounds = array<i64: 1>}, {transform_indices = @transform_2, window_bounds = array<i64: 1>}, {transform_indices = @transform_3, window_bounds = array<i64: 1>}, {transform_indices = @transform_4, window_bounds = array<i64: 2>}, {pipeline_mode = #tpu.pipeline_mode<synchronous>, transform_indices = @transform_5, window_bounds = array<i64: 1, 64>}, {pipeline_mode = #tpu.pipeline_mode<synchronous>, transform_indices = @transform_6, window_bounds = array<i64: 1, 64>}, {pipeline_mode = #tpu.pipeline_mode<synchronous>, transform_indices = @transform_7, window_bounds = array<i64: 1, 64>}, {transform_indices = @transform_8, window_bounds = array<i64: 4096, 128>}, {transform_indices = @transform_9, window_bounds = array<i64: 4096, 128>}, {transform_indices = @transform_10, window_bounds = array<i64: 4096, 1>}, {pipeline_mode = #tpu.pipeline_mode<synchronous>, transform_indices = @transform_11, window_bounds = array<i64: 128, 128>}, {transform_indices = @transform_12, window_bounds = array<i64: 64, 4096>}]} {
    %get3A = arith.constant 0 : index
    %get3A_0 = memref.load %arg1[%get3A] : memref<1xf32, #tpu.memory_space<smem>>
    %get3A_1 = arith.constant 0 : index
    %get3A_2 = memref.load %arg2[%get3A_1] : memref<1xf32, #tpu.memory_space<smem>>
    %get3A_3 = arith.constant 0 : index
    %get3A_4 = memref.load %arg3[%get3A_3] : memref<1xf32, #tpu.memory_space<smem>>
    %get3A_5 = arith.constant 0 : index
    %get3A_6 = memref.load %arg4[%get3A_5] : memref<1xf32, #tpu.memory_space<smem>>
    %get3A_7 = arith.constant 0 : index
    %get3A_8 = memref.load %arg5[%get3A_7] : memref<2xf32, #tpu.memory_space<smem>>
    %get3A_9 = arith.constant 1 : index
    %get3A_10 = memref.load %arg5[%get3A_9] : memref<2xf32, #tpu.memory_space<smem>>
    %get3A_11 = arith.constant 0 : index
    %get3A_12 = arith.constant 0 : index
    %get3A_13 = vector.load %arg6[%get3A_11, %get3A_12] : memref<1x64xf32, #tpu.memory_space<vmem>>, vector<1x64xf32>
    %get3A_14 = arith.constant 0 : index
    %get3A_15 = arith.constant 0 : index
    %get3A_16 = vector.load %arg7[%get3A_14, %get3A_15] : memref<1x64xf32, #tpu.memory_space<vmem>>, vector<1x64xf32>
    %get3A_17 = arith.constant 0 : index
    %get3A_18 = arith.constant 0 : index
    %get3A_19 = vector.load %arg8[%get3A_17, %get3A_18] : memref<1x64xf32, #tpu.memory_space<vmem>>, vector<1x64xf32>
    %exp3A = math.exp %get3A_0 : f32
    %exp3A_20 = math.exp %get3A_2 : f32
    %mul3A = arith.mulf %exp3A, %exp3A_20 : f32
    %mul3A_21 = arith.constant 1.000000e-01 : f32
    %mul3A_22 = vector.broadcast %mul3A_21 : f32 to vector<1x64xf32>
    %mul3A_23 = arith.mulf %mul3A_22, %get3A_13 : vector<1x64xf32>
    %exp3A_24 = math.exp %mul3A_23 : vector<1x64xf32>
    %mul3A_25 = vector.broadcast %mul3A : f32 to vector<1x64xf32>
    %mul3A_26 = arith.mulf %mul3A_25, %exp3A_24 : vector<1x64xf32>
    %exp3A_27 = math.exp %get3A_4 : f32
    %exp3A_28 = math.exp %get3A_6 : f32
    %mul3A_29 = arith.mulf %exp3A_27, %exp3A_28 : f32
    %mul3A_30 = arith.constant 1.000000e-01 : f32
    %mul3A_31 = vector.broadcast %mul3A_30 : f32 to vector<1x64xf32>
    %mul3A_32 = arith.mulf %mul3A_31, %get3A_16 : vector<1x64xf32>
    %exp3A_33 = math.exp %mul3A_32 : vector<1x64xf32>
    %mul3A_34 = vector.broadcast %mul3A_29 : f32 to vector<1x64xf32>
    %mul3A_35 = arith.mulf %mul3A_34, %exp3A_33 : vector<1x64xf32>
    %exp3A_36 = math.exp %get3A_8 : f32
    %exp3A_37 = math.exp %get3A_10 : f32
    %add3A = arith.constant 9.99999996E-13 : f32
    %add3A_38 = arith.addf %exp3A_37, %add3A : f32
    %div3A = arith.divf %exp3A_36, %add3A_38 : f32
    %log3A = math.log %div3A : f32
    %add3A_39 = vector.broadcast %log3A : f32 to vector<1x64xf32>
    %add3A_40 = arith.addf %get3A_19, %add3A_39 : vector<1x64xf32>
    %neg3A = arith.constant 0.000000e+00 : f32
    %neg3A_41 = vector.broadcast %neg3A : f32 to vector<1x64xf32>
    %neg3A_42 = arith.subf %neg3A_41, %add3A_40 : vector<1x64xf32>
    %exp3A_43 = math.exp %neg3A_42 : vector<1x64xf32>
    %add3A_44 = arith.constant 1.000000e+00 : f32
    %add3A_45 = vector.broadcast %add3A_44 : f32 to vector<1x64xf32>
    %add3A_46 = arith.addf %add3A_45, %exp3A_43 : vector<1x64xf32>
    %div3A_47 = arith.constant 1.000000e+00 : f32
    %div3A_48 = vector.broadcast %div3A_47 : f32 to vector<1x64xf32>
    %div3A_49 = arith.divf %div3A_48, %add3A_46 : vector<1x64xf32>
    %mul3A_50 = arith.mulf %mul3A_35, %mul3A_26 : vector<1x64xf32>
    %max3A = arith.constant 1.000000e-10 : f32
    %max3A_51 = vector.broadcast %max3A : f32 to vector<1x64xf32>
    %max3A_52 = arith.maximumf %mul3A_50, %max3A_51 : vector<1x64xf32>
    %lt3A = arith.constant 0.00999999977 : f32
    %lt3A_53 = vector.broadcast %lt3A : f32 to vector<1x64xf32>
    %lt3A_54 = arith.cmpf olt, %max3A_52, %lt3A_53 : vector<1x64xf32>
    %mul3A_55 = arith.constant 0.166666672 : f32
    %mul3A_56 = vector.broadcast %mul3A_55 : f32 to vector<1x64xf32>
    %mul3A_57 = arith.mulf %max3A_52, %mul3A_56 : vector<1x64xf32>
    %sub3A = arith.constant 5.000000e-01 : f32
    %sub3A_58 = vector.broadcast %sub3A : f32 to vector<1x64xf32>
    %sub3A_59 = arith.subf %sub3A_58, %mul3A_57 : vector<1x64xf32>
    %mul3A_60 = arith.mulf %max3A_52, %sub3A_59 : vector<1x64xf32>
    %sub3A_61 = arith.constant 1.000000e+00 : f32
    %sub3A_62 = vector.broadcast %sub3A_61 : f32 to vector<1x64xf32>
    %sub3A_63 = arith.subf %sub3A_62, %mul3A_60 : vector<1x64xf32>
    %mul3A_64 = arith.mulf %max3A_52, %sub3A_63 : vector<1x64xf32>
    %neg3A_65 = arith.constant 0.000000e+00 : f32
    %neg3A_66 = vector.broadcast %neg3A_65 : f32 to vector<1x64xf32>
    %neg3A_67 = arith.subf %neg3A_66, %max3A_52 : vector<1x64xf32>
    %exp3A_68 = math.exp %neg3A_67 : vector<1x64xf32>
    %sub3A_69 = arith.constant 1.000000e+00 : f32
    %sub3A_70 = vector.broadcast %sub3A_69 : f32 to vector<1x64xf32>
    %sub3A_71 = arith.subf %sub3A_70, %exp3A_68 : vector<1x64xf32>
    %select_n3A = arith.select %lt3A_54, %mul3A_64, %sub3A_71 : vector<1x64xi1>, vector<1x64xf32>
    %add3A_72 = arith.constant 9.99999996E-13 : f32
    %add3A_73 = vector.broadcast %add3A_72 : f32 to vector<1x64xf32>
    %add3A_74 = arith.addf %select_n3A, %add3A_73 : vector<1x64xf32>
    %log3A_75 = math.log %add3A_74 : vector<1x64xf32>
    %log1p3A = math.log1p %div3A_49 : vector<1x64xf32>
    %get3A_76 = arith.constant 0 : index
    %get3A_77 = arith.constant 0 : index
    %get3A_78 = vector.load %arg9[%get3A_76, %get3A_77] : memref<4096x128xf32, #tpu.memory_space<vmem>>, vector<4096x64xf32>
    %get3A_79 = arith.constant 0 : index
    %get3A_80 = arith.constant 64 : index
    %get3A_81 = vector.load %arg9[%get3A_79, %get3A_80] : memref<4096x128xf32, #tpu.memory_space<vmem>>, vector<4096x1xf32>
    %get3A_82 = arith.constant 0 : index
    %get3A_83 = arith.constant 65 : index
    %get3A_84 = vector.load %arg9[%get3A_82, %get3A_83] : memref<4096x128xf32, #tpu.memory_space<vmem>>, vector<4096x1xf32>
    %get3A_85 = arith.constant 0 : index
    %get3A_86 = arith.constant 0 : index
    %get3A_87 = vector.load %arg10[%get3A_85, %get3A_86] : memref<4096x128xf32, #tpu.memory_space<vmem>>, vector<4096x64xf32>
    %get3A_88 = arith.constant 0 : index
    %get3A_89 = arith.constant 64 : index
    %get3A_90 = vector.load %arg10[%get3A_88, %get3A_89] : memref<4096x128xf32, #tpu.memory_space<vmem>>, vector<4096x1xf32>
    %get3A_91 = arith.constant 0 : index
    %get3A_92 = arith.constant 65 : index
    %get3A_93 = vector.load %arg10[%get3A_91, %get3A_92] : memref<4096x128xf32, #tpu.memory_space<vmem>>, vector<4096x1xf32>
    %exp3A_94 = math.exp %get3A_84 : vector<4096x1xf32>
    %exp3A_95 = math.exp %get3A_93 : vector<4096x1xf32>
    %sub3A_96 = arith.constant 9.99999996E-13 : f32
    %sub3A_97 = vector.broadcast %sub3A_96 : f32 to vector<1x64xf32>
    %sub3A_98 = arith.subf %mul3A_26, %sub3A_97 : vector<1x64xf32>
    %mul3A_99 = vector.broadcast %exp3A_94 : vector<4096x1xf32> to vector<4096x64xf32>
    %mul3A_100 = arith.mulf %mul3A_99, %get3A_78 : vector<4096x64xf32>
    %add3A_101 = vector.broadcast %get3A_81 : vector<4096x1xf32> to vector<4096x64xf32>
    %add3A_102 = arith.addf %add3A_101, %mul3A_100 : vector<4096x64xf32>
    %max3A_103 = arith.constant 9.99999996E-13 : f32
    %max3A_104 = vector.broadcast %max3A_103 : f32 to vector<4096x64xf32>
    %max3A_105 = arith.maximumf %add3A_102, %max3A_104 : vector<4096x64xf32>
    %min3A = vector.broadcast %sub3A_98 : vector<1x64xf32> to vector<4096x64xf32>
    %min3A_106 = arith.minimumf %max3A_105, %min3A : vector<4096x64xf32>
    %mul3A_107 = vector.broadcast %exp3A_95 : vector<4096x1xf32> to vector<4096x64xf32>
    %mul3A_108 = arith.mulf %mul3A_107, %get3A_87 : vector<4096x64xf32>
    %add3A_109 = vector.broadcast %get3A_90 : vector<4096x1xf32> to vector<4096x64xf32>
    %add3A_110 = arith.addf %add3A_109, %mul3A_108 : vector<4096x64xf32>
    %max3A_111 = arith.constant 9.99999996E-13 : f32
    %max3A_112 = vector.broadcast %max3A_111 : f32 to vector<4096x64xf32>
    %max3A_113 = arith.maximumf %add3A_110, %max3A_112 : vector<4096x64xf32>
    %min3A_114 = vector.broadcast %sub3A_98 : vector<1x64xf32> to vector<4096x64xf32>
    %min3A_115 = arith.minimumf %max3A_113, %min3A_114 : vector<4096x64xf32>
    %mul3A_116 = arith.constant 2.000000e+00 : f32
    %mul3A_117 = vector.broadcast %mul3A_116 : f32 to vector<1x64xf32>
    %mul3A_118 = arith.mulf %mul3A_117, %mul3A_35 : vector<1x64xf32>
    %mul3A_119 = vector.broadcast %mul3A_118 : vector<1x64xf32> to vector<4096x64xf32>
    %mul3A_120 = arith.mulf %mul3A_119, %min3A_106 : vector<4096x64xf32>
    %max3A_121 = arith.constant 1.000000e-10 : f32
    %max3A_122 = vector.broadcast %max3A_121 : f32 to vector<4096x64xf32>
    %max3A_123 = arith.maximumf %mul3A_120, %max3A_122 : vector<4096x64xf32>
    %lt3A_124 = arith.constant 0.00999999977 : f32
    %lt3A_125 = vector.broadcast %lt3A_124 : f32 to vector<4096x64xf32>
    %lt3A_126 = arith.cmpf olt, %max3A_123, %lt3A_125 : vector<4096x64xf32>
    %mul3A_127 = arith.constant 0.166666672 : f32
    %mul3A_128 = vector.broadcast %mul3A_127 : f32 to vector<4096x64xf32>
    %mul3A_129 = arith.mulf %max3A_123, %mul3A_128 : vector<4096x64xf32>
    %sub3A_130 = arith.constant 5.000000e-01 : f32
    %sub3A_131 = vector.broadcast %sub3A_130 : f32 to vector<4096x64xf32>
    %sub3A_132 = arith.subf %sub3A_131, %mul3A_129 : vector<4096x64xf32>
    %mul3A_133 = arith.mulf %max3A_123, %sub3A_132 : vector<4096x64xf32>
    %sub3A_134 = arith.constant 1.000000e+00 : f32
    %sub3A_135 = vector.broadcast %sub3A_134 : f32 to vector<4096x64xf32>
    %sub3A_136 = arith.subf %sub3A_135, %mul3A_133 : vector<4096x64xf32>
    %mul3A_137 = arith.mulf %max3A_123, %sub3A_136 : vector<4096x64xf32>
    %neg3A_138 = arith.constant 0.000000e+00 : f32
    %neg3A_139 = vector.broadcast %neg3A_138 : f32 to vector<4096x64xf32>
    %neg3A_140 = arith.subf %neg3A_139, %max3A_123 : vector<4096x64xf32>
    %exp3A_141 = math.exp %neg3A_140 : vector<4096x64xf32>
    %sub3A_142 = arith.constant 1.000000e+00 : f32
    %sub3A_143 = vector.broadcast %sub3A_142 : f32 to vector<4096x64xf32>
    %sub3A_144 = arith.subf %sub3A_143, %exp3A_141 : vector<4096x64xf32>
    %select_n3A_145 = arith.select %lt3A_126, %mul3A_137, %sub3A_144 : vector<4096x64xi1>, vector<4096x64xf32>
    %add3A_146 = arith.constant 9.99999996E-13 : f32
    %add3A_147 = vector.broadcast %add3A_146 : f32 to vector<4096x64xf32>
    %add3A_148 = arith.addf %select_n3A_145, %add3A_147 : vector<4096x64xf32>
    %log3A_149 = math.log %add3A_148 : vector<4096x64xf32>
    %neg3A_150 = arith.constant 0.000000e+00 : f32
    %neg3A_151 = vector.broadcast %neg3A_150 : f32 to vector<1x64xf32>
    %neg3A_152 = arith.subf %neg3A_151, %mul3A_35 : vector<1x64xf32>
    %sub3A_153 = vector.broadcast %mul3A_26 : vector<1x64xf32> to vector<4096x64xf32>
    %sub3A_154 = arith.subf %sub3A_153, %min3A_106 : vector<4096x64xf32>
    %mul3A_155 = vector.broadcast %neg3A_152 : vector<1x64xf32> to vector<4096x64xf32>
    %mul3A_156 = arith.mulf %mul3A_155, %sub3A_154 : vector<4096x64xf32>
    %neg3A_157 = arith.constant 0.000000e+00 : f32
    %neg3A_158 = vector.broadcast %neg3A_157 : f32 to vector<1x64xf32>
    %neg3A_159 = arith.subf %neg3A_158, %mul3A_35 : vector<1x64xf32>
    %sub3A_160 = vector.broadcast %mul3A_26 : vector<1x64xf32> to vector<4096x64xf32>
    %sub3A_161 = arith.subf %sub3A_160, %min3A_115 : vector<4096x64xf32>
    %mul3A_162 = vector.broadcast %neg3A_159 : vector<1x64xf32> to vector<4096x64xf32>
    %mul3A_163 = arith.mulf %mul3A_162, %sub3A_161 : vector<4096x64xf32>
    %add3A_164 = arith.constant 9.99999996E-13 : f32
    %add3A_165 = vector.broadcast %add3A_164 : f32 to vector<4096x1xf32>
    %add3A_166 = arith.addf %exp3A_94, %add3A_165 : vector<4096x1xf32>
    %div3A_167 = arith.constant 1.000000e+00 : f32
    %div3A_168 = vector.broadcast %div3A_167 : f32 to vector<4096x1xf32>
    %div3A_169 = arith.divf %div3A_168, %add3A_166 : vector<4096x1xf32>
    %log3A_170 = math.log %add3A_166 : vector<4096x1xf32>
    %sub3A_171 = vector.broadcast %get3A_81 : vector<4096x1xf32> to vector<4096x64xf32>
    %sub3A_172 = arith.subf %min3A_106, %sub3A_171 : vector<4096x64xf32>
    %mul3A_173 = vector.broadcast %div3A_169 : vector<4096x1xf32> to vector<4096x64xf32>
    %mul3A_174 = arith.mulf %sub3A_172, %mul3A_173 : vector<4096x64xf32>
    %integer_pow3A = arith.mulf %mul3A_174, %mul3A_174 : vector<4096x64xf32>
    %mul3A_175 = arith.constant -5.000000e-01 : f32
    %mul3A_176 = vector.broadcast %mul3A_175 : f32 to vector<4096x64xf32>
    %mul3A_177 = arith.mulf %mul3A_176, %integer_pow3A : vector<4096x64xf32>
    %sub3A_178 = vector.broadcast %log3A_170 : vector<4096x1xf32> to vector<4096x64xf32>
    %sub3A_179 = arith.subf %mul3A_177, %sub3A_178 : vector<4096x64xf32>
    %log3A_180 = arith.constant 6.28318548 : f32
    %log3A_181 = math.log %log3A_180 : f32
    %mul3A_182 = arith.constant 5.000000e-01 : f32
    %mul3A_183 = arith.mulf %mul3A_182, %log3A_181 : f32
    %sub3A_184 = vector.broadcast %mul3A_183 : f32 to vector<4096x64xf32>
    %sub3A_185 = arith.subf %sub3A_179, %sub3A_184 : vector<4096x64xf32>
    %get3A_186 = arith.constant 0 : index
    %get3A_187 = arith.constant 0 : index
    %get3A_188 = vector.load %arg11[%get3A_186, %get3A_187] : memref<4096x1xbf16, #tpu.memory_space<vmem>>, vector<4096x1xbf16>
    %convert_element_type3A = arith.extf %get3A_188 : vector<4096x1xbf16> to vector<4096x1xf32>
    %gt3A = arith.constant 0.000000e+00 : f32
    %gt3A_189 = vector.broadcast %gt3A : f32 to vector<4096x1xf32>
    %gt3A_190 = arith.cmpf ogt, %convert_element_type3A, %gt3A_189 : vector<4096x1xf32>
    %jit3A = arith.constant 1.000000e+00 : f32
    %jit3A_191 = arith.constant 0.000000e+00 : f32
    %broadcast_in_dim3A = vector.broadcast %jit3A : f32 to vector<4096x1xf32>
    %broadcast_in_dim3A_192 = vector.broadcast %jit3A_191 : f32 to vector<4096x1xf32>
    %select_n3A_193 = arith.select %gt3A_190, %broadcast_in_dim3A, %broadcast_in_dim3A_192 : vector<4096x1xi1>, vector<4096x1xf32>
    %add3A_194 = arith.addf %log3A_149, %mul3A_156 : vector<4096x64xf32>
    %add3A_195 = arith.addf %add3A_194, %mul3A_163 : vector<4096x64xf32>
    %mul3A_196 = vector.broadcast %select_n3A_193 : vector<4096x1xf32> to vector<4096x64xf32>
    %mul3A_197 = arith.mulf %mul3A_196, %add3A_195 : vector<4096x64xf32>
    %sub3A_198 = vector.broadcast %log3A_75 : vector<1x64xf32> to vector<4096x64xf32>
    %sub3A_199 = arith.subf %mul3A_197, %sub3A_198 : vector<4096x64xf32>
    %add3A_200 = arith.addf %sub3A_199, %sub3A_185 : vector<4096x64xf32>
    %sub3A_201 = vector.broadcast %log1p3A : vector<1x64xf32> to vector<4096x64xf32>
    %sub3A_202 = arith.subf %add3A_200, %sub3A_201 : vector<4096x64xf32>
    %slice3A = vector.extract_strided_slice %sub3A_202 {offsets = [0, 0], sizes = [128, 64], strides = [1, 1]} : vector<4096x64xf32> to vector<128x64xf32>
    %get3A_203 = arith.constant 0 : index
    %get3A_204 = arith.constant 0 : index
    %get3A_205 = vector.load %arg12[%get3A_203, %get3A_204] : memref<128x128xf32, #tpu.memory_space<vmem>>, vector<128x128xf32>
    %dot_general3A = arith.constant dense<0.000000e+00> : vector<64x128xf32>
    %dot_general3A_206 = tpu.matmul %slice3A, %get3A_205, %dot_general3A {dimension_numbers = #tpu.dot_dimension_numbers<[0], [0], [1], [1], [0, 1, 1, 1], [], []>, precision = #tpu.contract_precision<fp32>, transpose_lhs_hint = false} : vector<128x64xf32>, vector<128x128xf32>, vector<64x128xf32> -> vector<64x128xf32>
    %swap3A = arith.constant 0 : index
    %swap3A_207 = arith.constant 0 : index
    %swap3A_208 = vector.load %arg13[%swap3A, %swap3A_207] : memref<64x4096xf32, #tpu.memory_space<vmem>>, vector<64x128xf32>
    tpu.vector_store %arg13[%swap3A, %swap3A_207], %dot_general3A_206 {strides = array<i32>} : memref<64x4096xf32, #tpu.memory_space<vmem>>, vector<64x128xf32>,
    %slice3A_209 = vector.extract_strided_slice %sub3A_202 {offsets = [128, 0], sizes = [128, 64], strides = [1, 1]} : vector<4096x64xf32> to vector<128x64xf32>
    %get3A_210 = arith.constant 0 : index
    %get3A_211 = arith.constant 0 : index
    %get3A_212 = vector.load %arg12[%get3A_210, %get3A_211] : memref<128x128xf32, #tpu.memory_space<vmem>>, vector<128x128xf32>
    %dot_general3A_213 = arith.constant dense<0.000000e+00> : vector<64x128xf32>
    %dot_general3A_214 = tpu.matmul %slice3A_209, %get3A_212, %dot_general3A_213 {dimension_numbers = #tpu.dot_dimension_numbers<[0], [0], [1], [1], [0, 1, 1, 1], [], []>, precision = #tpu.contract_precision<fp32>, transpose_lhs_hint = false} : vector<128x64xf32>, vector<128x128xf32>, vector<64x128xf32> -> vector<64x128xf32>
    %swap3A_215 = arith.constant 0 : index
    %swap3A_216 = arith.constant 128 : index
    %swap3A_217 = vector.load %arg13[%swap3A_215, %swap3A_216] : memref<64x4096xf32, #tpu.memory_space<vmem>>, vector<64x128xf32>
    tpu.vector_store %arg13[%swap3A_215, %swap3A_216], %dot_general3A_214 {strides = array<i32>} : memref<64x4096xf32, #tpu.memory_space<vmem>>, vector<64x128xf32>,
    %slice3A_218 = vector.extract_strided_slice %sub3A_202 {offsets = [256, 0], sizes = [128, 64], strides = [1, 1]} : vector<4096x64xf32> to vector<128x64xf32>
    %get3A_219 = arith.constant 0 : index
    %get3A_220 = arith.constant 0 : index
    %get3A_221 = vector.load %arg12[%get3A_219, %get3A_220] : memref<128x128xf32, #tpu.memory_space<vmem>>, vector<128x128xf32>
    %dot_general3A_222 = arith.constant dense<0.000000e+00> : vector<64x128xf32>
    %dot_general3A_223 = tpu.matmul %slice3A_218, %get3A_221, %dot_general3A_222 {dimension_numbers = #tpu.dot_dimension_numbers<[0], [0], [1], [1], [0, 1, 1, 1], [], []>, precision = #tpu.contract_precision<fp32>, transpose_lhs_hint = false} : vector<128x64xf32>, vector<128x128xf32>, vector<64x128xf32> -> vector<64x128xf32>
    %swap3A_224 = arith.constant 0 : index
    %swap3A_225 = arith.constant 256 : index
    %swap3A_226 = vector.load %arg13[%swap3A_224, %swap3A_225] : memref<64x4096xf32, #tpu.memory_space<vmem>>, vector<64x128xf32>
    tpu.vector_store %arg13[%swap3A_224, %swap3A_225], %dot_general3A_223 {strides = array<i32>} : memref<64x4096xf32, #tpu.memory_space<vmem>>, vector<64x128xf32>,
    %slice3A_227 = vector.extract_strided_slice %sub3A_202 {offsets = [384, 0], sizes = [128, 64], strides = [1, 1]} : vector<4096x64xf32> to vector<128x64xf32>
    %get3A_228 = arith.constant 0 : index
    %get3A_229 = arith.constant 0 : index
    %get3A_230 = vector.load %arg12[%get3A_228, %get3A_229] : memref<128x128xf32, #tpu.memory_space<vmem>>, vector<128x128xf32>
    %dot_general3A_231 = arith.constant dense<0.000000e+00> : vector<64x128xf32>
    %dot_general3A_232 = tpu.matmul %slice3A_227, %get3A_230, %dot_general3A_231 {dimension_numbers = #tpu.dot_dimension_numbers<[0], [0], [1], [1], [0, 1, 1, 1], [], []>, precision = #tpu.contract_precision<fp32>, transpose_lhs_hint = false} : vector<128x64xf32>, vector<128x128xf32>, vector<64x128xf32> -> vector<64x128xf32>
    %swap3A_233 = arith.constant 0 : index
    %swap3A_234 = arith.constant 384 : index
    %swap3A_235 = vector.load %arg13[%swap3A_233, %swap3A_234] : memref<64x4096xf32, #tpu.memory_space<vmem>>, vector<64x128xf32>
    tpu.vector_store %arg13[%swap3A_233, %swap3A_234], %dot_general3A_232 {strides = array<i32>} : memref<64x4096xf32, #tpu.memory_space<vmem>>, vector<64x128xf32>,
    %slice3A_236 = vector.extract_strided_slice %sub3A_202 {offsets = [512, 0], sizes = [128, 64], strides = [1, 1]} : vector<4096x64xf32> to vector<128x64xf32>
    %get3A_237 = arith.constant 0 : index
    %get3A_238 = arith.constant 0 : index
    %get3A_239 = vector.load %arg12[%get3A_237, %get3A_238] : memref<128x128xf32, #tpu.memory_space<vmem>>, vector<128x128xf32>
    %dot_general3A_240 = arith.constant dense<0.000000e+00> : vector<64x128xf32>
    %dot_general3A_241 = tpu.matmul %slice3A_236, %get3A_239, %dot_general3A_240 {dimension_numbers = #tpu.dot_dimension_numbers<[0], [0], [1], [1], [0, 1, 1, 1], [], []>, precision = #tpu.contract_precision<fp32>, transpose_lhs_hint = false} : vector<128x64xf32>, vector<128x128xf32>, vector<64x128xf32> -> vector<64x128xf32>
    %swap3A_242 = arith.constant 0 : index
    %swap3A_243 = arith.constant 512 : index
    %swap3A_244 = vector.load %arg13[%swap3A_242, %swap3A_243] : memref<64x4096xf32, #tpu.memory_space<vmem>>, vector<64x128xf32>
    tpu.vector_store %arg13[%swap3A_242, %swap3A_243], %dot_general3A_241 {strides = array<i32>} : memref<64x4096xf32, #tpu.memory_space<vmem>>, vector<64x128xf32>,
    %slice3A_245 = vector.extract_strided_slice %sub3A_202 {offsets = [640, 0], sizes = [128, 64], strides = [1, 1]} : vector<4096x64xf32> to vector<128x64xf32>
    %get3A_246 = arith.constant 0 : index
    %get3A_247 = arith.constant 0 : index
    %get3A_248 = vector.load %arg12[%get3A_246, %get3A_247] : memref<128x128xf32, #tpu.memory_space<vmem>>, vector<128x128xf32>
    %dot_general3A_249 = arith.constant dense<0.000000e+00> : vector<64x128xf32>
    %dot_general3A_250 = tpu.matmul %slice3A_245, %get3A_248, %dot_general3A_249 {dimension_numbers = #tpu.dot_dimension_numbers<[0], [0], [1], [1], [0, 1, 1, 1], [], []>, precision = #tpu.contract_precision<fp32>, transpose_lhs_hint = false} : vector<128x64xf32>, vector<128x128xf32>, vector<64x128xf32> -> vector<64x128xf32>
    %swap3A_251 = arith.constant 0 : index
    %swap3A_252 = arith.constant 640 : index
    %swap3A_253 = vector.load %arg13[%swap3A_251, %swap3A_252] : memref<64x4096xf32, #tpu.memory_space<vmem>>, vector<64x128xf32>
    tpu.vector_store %arg13[%swap3A_251, %swap3A_252], %dot_general3A_250 {strides = array<i32>} : memref<64x4096xf32, #tpu.memory_space<vmem>>, vector<64x128xf32>,
    %slice3A_254 = vector.extract_strided_slice %sub3A_202 {offsets = [768, 0], sizes = [128, 64], strides = [1, 1]} : vector<4096x64xf32> to vector<128x64xf32>
    %get3A_255 = arith.constant 0 : index
    %get3A_256 = arith.constant 0 : index
    %get3A_257 = vector.load %arg12[%get3A_255, %get3A_256] : memref<128x128xf32, #tpu.memory_space<vmem>>, vector<128x128xf32>
    %dot_general3A_258 = arith.constant dense<0.000000e+00> : vector<64x128xf32>
    %dot_general3A_259 = tpu.matmul %slice3A_254, %get3A_257, %dot_general3A_258 {dimension_numbers = #tpu.dot_dimension_numbers<[0], [0], [1], [1], [0, 1, 1, 1], [], []>, precision = #tpu.contract_precision<fp32>, transpose_lhs_hint = false} : vector<128x64xf32>, vector<128x128xf32>, vector<64x128xf32> -> vector<64x128xf32>
    %swap3A_260 = arith.constant 0 : index
    %swap3A_261 = arith.constant 768 : index
    %swap3A_262 = vector.load %arg13[%swap3A_260, %swap3A_261] : memref<64x4096xf32, #tpu.memory_space<vmem>>, vector<64x128xf32>
    tpu.vector_store %arg13[%swap3A_260, %swap3A_261], %dot_general3A_259 {strides = array<i32>} : memref<64x4096xf32, #tpu.memory_space<vmem>>, vector<64x128xf32>,
    %slice3A_263 = vector.extract_strided_slice %sub3A_202 {offsets = [896, 0], sizes = [128, 64], strides = [1, 1]} : vector<4096x64xf32> to vector<128x64xf32>
    %get3A_264 = arith.constant 0 : index
    %get3A_265 = arith.constant 0 : index
    %get3A_266 = vector.load %arg12[%get3A_264, %get3A_265] : memref<128x128xf32, #tpu.memory_space<vmem>>, vector<128x128xf32>
    %dot_general3A_267 = arith.constant dense<0.000000e+00> : vector<64x128xf32>
    %dot_general3A_268 = tpu.matmul %slice3A_263, %get3A_266, %dot_general3A_267 {dimension_numbers = #tpu.dot_dimension_numbers<[0], [0], [1], [1], [0, 1, 1, 1], [], []>, precision = #tpu.contract_precision<fp32>, transpose_lhs_hint = false} : vector<128x64xf32>, vector<128x128xf32>, vector<64x128xf32> -> vector<64x128xf32>
    %swap3A_269 = arith.constant 0 : index
    %swap3A_270 = arith.constant 896 : index
    %swap3A_271 = vector.load %arg13[%swap3A_269, %swap3A_270] : memref<64x4096xf32, #tpu.memory_space<vmem>>, vector<64x128xf32>
    tpu.vector_store %arg13[%swap3A_269, %swap3A_270], %dot_general3A_268 {strides = array<i32>} : memref<64x4096xf32, #tpu.memory_space<vmem>>, vector<64x128xf32>,
    %slice3A_272 = vector.extract_strided_slice %sub3A_202 {offsets = [1024, 0], sizes = [128, 64], strides = [1, 1]} : vector<4096x64xf32> to vector<128x64xf32>
    %get3A_273 = arith.constant 0 : index
    %get3A_274 = arith.constant 0 : index
    %get3A_275 = vector.load %arg12[%get3A_273, %get3A_274] : memref<128x128xf32, #tpu.memory_space<vmem>>, vector<128x128xf32>
    %dot_general3A_276 = arith.constant dense<0.000000e+00> : vector<64x128xf32>
    %dot_general3A_277 = tpu.matmul %slice3A_272, %get3A_275, %dot_general3A_276 {dimension_numbers = #tpu.dot_dimension_numbers<[0], [0], [1], [1], [0, 1, 1, 1], [], []>, precision = #tpu.contract_precision<fp32>, transpose_lhs_hint = false} : vector<128x64xf32>, vector<128x128xf32>, vector<64x128xf32> -> vector<64x128xf32>
    %swap3A_278 = arith.constant 0 : index
    %swap3A_279 = arith.constant 1024 : index
    %swap3A_280 = vector.load %arg13[%swap3A_278, %swap3A_279] : memref<64x4096xf32, #tpu.memory_space<vmem>>, vector<64x128xf32>
    tpu.vector_store %arg13[%swap3A_278, %swap3A_279], %dot_general3A_277 {strides = array<i32>} : memref<64x4096xf32, #tpu.memory_space<vmem>>, vector<64x128xf32>,
    %slice3A_281 = vector.extract_strided_slice %sub3A_202 {offsets = [1152, 0], sizes = [128, 64], strides = [1, 1]} : vector<4096x64xf32> to vector<128x64xf32>
    %get3A_282 = arith.constant 0 : index
    %get3A_283 = arith.constant 0 : index
    %get3A_284 = vector.load %arg12[%get3A_282, %get3A_283] : memref<128x128xf32, #tpu.memory_space<vmem>>, vector<128x128xf32>
    %dot_general3A_285 = arith.constant dense<0.000000e+00> : vector<64x128xf32>
    %dot_general3A_286 = tpu.matmul %slice3A_281, %get3A_284, %dot_general3A_285 {dimension_numbers = #tpu.dot_dimension_numbers<[0], [0], [1], [1], [0, 1, 1, 1], [], []>, precision = #tpu.contract_precision<fp32>, transpose_lhs_hint = false} : vector<128x64xf32>, vector<128x128xf32>, vector<64x128xf32> -> vector<64x128xf32>
    %swap3A_287 = arith.constant 0 : index
    %swap3A_288 = arith.constant 1152 : index
    %swap3A_289 = vector.load %arg13[%swap3A_287, %swap3A_288] : memref<64x4096xf32, #tpu.memory_space<vmem>>, vector<64x128xf32>
    tpu.vector_store %arg13[%swap3A_287, %swap3A_288], %dot_general3A_286 {strides = array<i32>} : memref<64x4096xf32, #tpu.memory_space<vmem>>, vector<64x128xf32>,
    %slice3A_290 = vector.extract_strided_slice %sub3A_202 {offsets = [1280, 0], sizes = [128, 64], strides = [1, 1]} : vector<4096x64xf32> to vector<128x64xf32>
    %get3A_291 = arith.constant 0 : index
    %get3A_292 = arith.constant 0 : index
    %get3A_293 = vector.load %arg12[%get3A_291, %get3A_292] : memref<128x128xf32, #tpu.memory_space<vmem>>, vector<128x128xf32>
    %dot_general3A_294 = arith.constant dense<0.000000e+00> : vector<64x128xf32>
    %dot_general3A_295 = tpu.matmul %slice3A_290, %get3A_293, %dot_general3A_294 {dimension_numbers = #tpu.dot_dimension_numbers<[0], [0], [1], [1], [0, 1, 1, 1], [], []>, precision = #tpu.contract_precision<fp32>, transpose_lhs_hint = false} : vector<128x64xf32>, vector<128x128xf32>, vector<64x128xf32> -> vector<64x128xf32>
    %swap3A_296 = arith.constant 0 : index
    %swap3A_297 = arith.constant 1280 : index
    %swap3A_298 = vector.load %arg13[%swap3A_296, %swap3A_297] : memref<64x4096xf32, #tpu.memory_space<vmem>>, vector<64x128xf32>
    tpu.vector_store %arg13[%swap3A_296, %swap3A_297], %dot_general3A_295 {strides = array<i32>} : memref<64x4096xf32, #tpu.memory_space<vmem>>, vector<64x128xf32>,
    %slice3A_299 = vector.extract_strided_slice %sub3A_202 {offsets = [1408, 0], sizes = [128, 64], strides = [1, 1]} : vector<4096x64xf32> to vector<128x64xf32>
    %get3A_300 = arith.constant 0 : index
    %get3A_301 = arith.constant 0 : index
    %get3A_302 = vector.load %arg12[%get3A_300, %get3A_301] : memref<128x128xf32, #tpu.memory_space<vmem>>, vector<128x128xf32>
    %dot_general3A_303 = arith.constant dense<0.000000e+00> : vector<64x128xf32>
    %dot_general3A_304 = tpu.matmul %slice3A_299, %get3A_302, %dot_general3A_303 {dimension_numbers = #tpu.dot_dimension_numbers<[0], [0], [1], [1], [0, 1, 1, 1], [], []>, precision = #tpu.contract_precision<fp32>, transpose_lhs_hint = false} : vector<128x64xf32>, vector<128x128xf32>, vector<64x128xf32> -> vector<64x128xf32>
    %swap3A_305 = arith.constant 0 : index
    %swap3A_306 = arith.constant 1408 : index
    %swap3A_307 = vector.load %arg13[%swap3A_305, %swap3A_306] : memref<64x4096xf32, #tpu.memory_space<vmem>>, vector<64x128xf32>
    tpu.vector_store %arg13[%swap3A_305, %swap3A_306], %dot_general3A_304 {strides = array<i32>} : memref<64x4096xf32, #tpu.memory_space<vmem>>, vector<64x128xf32>,
    %slice3A_308 = vector.extract_strided_slice %sub3A_202 {offsets = [1536, 0], sizes = [128, 64], strides = [1, 1]} : vector<4096x64xf32> to vector<128x64xf32>
    %get3A_309 = arith.constant 0 : index
    %get3A_310 = arith.constant 0 : index
    %get3A_311 = vector.load %arg12[%get3A_309, %get3A_310] : memref<128x128xf32, #tpu.memory_space<vmem>>, vector<128x128xf32>
    %dot_general3A_312 = arith.constant dense<0.000000e+00> : vector<64x128xf32>
    %dot_general3A_313 = tpu.matmul %slice3A_308, %get3A_311, %dot_general3A_312 {dimension_numbers = #tpu.dot_dimension_numbers<[0], [0], [1], [1], [0, 1, 1, 1], [], []>, precision = #tpu.contract_precision<fp32>, transpose_lhs_hint = false} : vector<128x64xf32>, vector<128x128xf32>, vector<64x128xf32> -> vector<64x128xf32>
    %swap3A_314 = arith.constant 0 : index
    %swap3A_315 = arith.constant 1536 : index
    %swap3A_316 = vector.load %arg13[%swap3A_314, %swap3A_315] : memref<64x4096xf32, #tpu.memory_space<vmem>>, vector<64x128xf32>
    tpu.vector_store %arg13[%swap3A_314, %swap3A_315], %dot_general3A_313 {strides = array<i32>} : memref<64x4096xf32, #tpu.memory_space<vmem>>, vector<64x128xf32>,
    %slice3A_317 = vector.extract_strided_slice %sub3A_202 {offsets = [1664, 0], sizes = [128, 64], strides = [1, 1]} : vector<4096x64xf32> to vector<128x64xf32>
    %get3A_318 = arith.constant 0 : index
    %get3A_319 = arith.constant 0 : index
    %get3A_320 = vector.load %arg12[%get3A_318, %get3A_319] : memref<128x128xf32, #tpu.memory_space<vmem>>, vector<128x128xf32>
    %dot_general3A_321 = arith.constant dense<0.000000e+00> : vector<64x128xf32>
    %dot_general3A_322 = tpu.matmul %slice3A_317, %get3A_320, %dot_general3A_321 {dimension_numbers = #tpu.dot_dimension_numbers<[0], [0], [1], [1], [0, 1, 1, 1], [], []>, precision = #tpu.contract_precision<fp32>, transpose_lhs_hint = false} : vector<128x64xf32>, vector<128x128xf32>, vector<64x128xf32> -> vector<64x128xf32>
    %swap3A_323 = arith.constant 0 : index
    %swap3A_324 = arith.constant 1664 : index
    %swap3A_325 = vector.load %arg13[%swap3A_323, %swap3A_324] : memref<64x4096xf32, #tpu.memory_space<vmem>>, vector<64x128xf32>
    tpu.vector_store %arg13[%swap3A_323, %swap3A_324], %dot_general3A_322 {strides = array<i32>} : memref<64x4096xf32, #tpu.memory_space<vmem>>, vector<64x128xf32>,
    %slice3A_326 = vector.extract_strided_slice %sub3A_202 {offsets = [1792, 0], sizes = [128, 64], strides = [1, 1]} : vector<4096x64xf32> to vector<128x64xf32>
    %get3A_327 = arith.constant 0 : index
    %get3A_328 = arith.constant 0 : index
    %get3A_329 = vector.load %arg12[%get3A_327, %get3A_328] : memref<128x128xf32, #tpu.memory_space<vmem>>, vector<128x128xf32>
    %dot_general3A_330 = arith.constant dense<0.000000e+00> : vector<64x128xf32>
    %dot_general3A_331 = tpu.matmul %slice3A_326, %get3A_329, %dot_general3A_330 {dimension_numbers = #tpu.dot_dimension_numbers<[0], [0], [1], [1], [0, 1, 1, 1], [], []>, precision = #tpu.contract_precision<fp32>, transpose_lhs_hint = false} : vector<128x64xf32>, vector<128x128xf32>, vector<64x128xf32> -> vector<64x128xf32>
    %swap3A_332 = arith.constant 0 : index
    %swap3A_333 = arith.constant 1792 : index
    %swap3A_334 = vector.load %arg13[%swap3A_332, %swap3A_333] : memref<64x4096xf32, #tpu.memory_space<vmem>>, vector<64x128xf32>
    tpu.vector_store %arg13[%swap3A_332, %swap3A_333], %dot_general3A_331 {strides = array<i32>} : memref<64x4096xf32, #tpu.memory_space<vmem>>, vector<64x128xf32>,
    %slice3A_335 = vector.extract_strided_slice %sub3A_202 {offsets = [1920, 0], sizes = [128, 64], strides = [1, 1]} : vector<4096x64xf32> to vector<128x64xf32>
    %get3A_336 = arith.constant 0 : index
    %get3A_337 = arith.constant 0 : index
    %get3A_338 = vector.load %arg12[%get3A_336, %get3A_337] : memref<128x128xf32, #tpu.memory_space<vmem>>, vector<128x128xf32>
    %dot_general3A_339 = arith.constant dense<0.000000e+00> : vector<64x128xf32>
    %dot_general3A_340 = tpu.matmul %slice3A_335, %get3A_338, %dot_general3A_339 {dimension_numbers = #tpu.dot_dimension_numbers<[0], [0], [1], [1], [0, 1, 1, 1], [], []>, precision = #tpu.contract_precision<fp32>, transpose_lhs_hint = false} : vector<128x64xf32>, vector<128x128xf32>, vector<64x128xf32> -> vector<64x128xf32>
    %swap3A_341 = arith.constant 0 : index
    %swap3A_342 = arith.constant 1920 : index
    %swap3A_343 = vector.load %arg13[%swap3A_341, %swap3A_342] : memref<64x4096xf32, #tpu.memory_space<vmem>>, vector<64x128xf32>
    tpu.vector_store %arg13[%swap3A_341, %swap3A_342], %dot_general3A_340 {strides = array<i32>} : memref<64x4096xf32, #tpu.memory_space<vmem>>, vector<64x128xf32>,
    %slice3A_344 = vector.extract_strided_slice %sub3A_202 {offsets = [2048, 0], sizes = [128, 64], strides = [1, 1]} : vector<4096x64xf32> to vector<128x64xf32>
    %get3A_345 = arith.constant 0 : index
    %get3A_346 = arith.constant 0 : index
    %get3A_347 = vector.load %arg12[%get3A_345, %get3A_346] : memref<128x128xf32, #tpu.memory_space<vmem>>, vector<128x128xf32>
    %dot_general3A_348 = arith.constant dense<0.000000e+00> : vector<64x128xf32>
    %dot_general3A_349 = tpu.matmul %slice3A_344, %get3A_347, %dot_general3A_348 {dimension_numbers = #tpu.dot_dimension_numbers<[0], [0], [1], [1], [0, 1, 1, 1], [], []>, precision = #tpu.contract_precision<fp32>, transpose_lhs_hint = false} : vector<128x64xf32>, vector<128x128xf32>, vector<64x128xf32> -> vector<64x128xf32>
    %swap3A_350 = arith.constant 0 : index
    %swap3A_351 = arith.constant 2048 : index
    %swap3A_352 = vector.load %arg13[%swap3A_350, %swap3A_351] : memref<64x4096xf32, #tpu.memory_space<vmem>>, vector<64x128xf32>
    tpu.vector_store %arg13[%swap3A_350, %swap3A_351], %dot_general3A_349 {strides = array<i32>} : memref<64x4096xf32, #tpu.memory_space<vmem>>, vector<64x128xf32>,
    %slice3A_353 = vector.extract_strided_slice %sub3A_202 {offsets = [2176, 0], sizes = [128, 64], strides = [1, 1]} : vector<4096x64xf32> to vector<128x64xf32>
    %get3A_354 = arith.constant 0 : index
    %get3A_355 = arith.constant 0 : index
    %get3A_356 = vector.load %arg12[%get3A_354, %get3A_355] : memref<128x128xf32, #tpu.memory_space<vmem>>, vector<128x128xf32>
    %dot_general3A_357 = arith.constant dense<0.000000e+00> : vector<64x128xf32>
    %dot_general3A_358 = tpu.matmul %slice3A_353, %get3A_356, %dot_general3A_357 {dimension_numbers = #tpu.dot_dimension_numbers<[0], [0], [1], [1], [0, 1, 1, 1], [], []>, precision = #tpu.contract_precision<fp32>, transpose_lhs_hint = false} : vector<128x64xf32>, vector<128x128xf32>, vector<64x128xf32> -> vector<64x128xf32>
    %swap3A_359 = arith.constant 0 : index
    %swap3A_360 = arith.constant 2176 : index
    %swap3A_361 = vector.load %arg13[%swap3A_359, %swap3A_360] : memref<64x4096xf32, #tpu.memory_space<vmem>>, vector<64x128xf32>
    tpu.vector_store %arg13[%swap3A_359, %swap3A_360], %dot_general3A_358 {strides = array<i32>} : memref<64x4096xf32, #tpu.memory_space<vmem>>, vector<64x128xf32>,
    %slice3A_362 = vector.extract_strided_slice %sub3A_202 {offsets = [2304, 0], sizes = [128, 64], strides = [1, 1]} : vector<4096x64xf32> to vector<128x64xf32>
    %get3A_363 = arith.constant 0 : index
    %get3A_364 = arith.constant 0 : index
    %get3A_365 = vector.load %arg12[%get3A_363, %get3A_364] : memref<128x128xf32, #tpu.memory_space<vmem>>, vector<128x128xf32>
    %dot_general3A_366 = arith.constant dense<0.000000e+00> : vector<64x128xf32>
    %dot_general3A_367 = tpu.matmul %slice3A_362, %get3A_365, %dot_general3A_366 {dimension_numbers = #tpu.dot_dimension_numbers<[0], [0], [1], [1], [0, 1, 1, 1], [], []>, precision = #tpu.contract_precision<fp32>, transpose_lhs_hint = false} : vector<128x64xf32>, vector<128x128xf32>, vector<64x128xf32> -> vector<64x128xf32>
    %swap3A_368 = arith.constant 0 : index
    %swap3A_369 = arith.constant 2304 : index
    %swap3A_370 = vector.load %arg13[%swap3A_368, %swap3A_369] : memref<64x4096xf32, #tpu.memory_space<vmem>>, vector<64x128xf32>
    tpu.vector_store %arg13[%swap3A_368, %swap3A_369], %dot_general3A_367 {strides = array<i32>} : memref<64x4096xf32, #tpu.memory_space<vmem>>, vector<64x128xf32>,
    %slice3A_371 = vector.extract_strided_slice %sub3A_202 {offsets = [2432, 0], sizes = [128, 64], strides = [1, 1]} : vector<4096x64xf32> to vector<128x64xf32>
    %get3A_372 = arith.constant 0 : index
    %get3A_373 = arith.constant 0 : index
    %get3A_374 = vector.load %arg12[%get3A_372, %get3A_373] : memref<128x128xf32, #tpu.memory_space<vmem>>, vector<128x128xf32>
    %dot_general3A_375 = arith.constant dense<0.000000e+00> : vector<64x128xf32>
    %dot_general3A_376 = tpu.matmul %slice3A_371, %get3A_374, %dot_general3A_375 {dimension_numbers = #tpu.dot_dimension_numbers<[0], [0], [1], [1], [0, 1, 1, 1], [], []>, precision = #tpu.contract_precision<fp32>, transpose_lhs_hint = false} : vector<128x64xf32>, vector<128x128xf32>, vector<64x128xf32> -> vector<64x128xf32>
    %swap3A_377 = arith.constant 0 : index
    %swap3A_378 = arith.constant 2432 : index
    %swap3A_379 = vector.load %arg13[%swap3A_377, %swap3A_378] : memref<64x4096xf32, #tpu.memory_space<vmem>>, vector<64x128xf32>
    tpu.vector_store %arg13[%swap3A_377, %swap3A_378], %dot_general3A_376 {strides = array<i32>} : memref<64x4096xf32, #tpu.memory_space<vmem>>, vector<64x128xf32>,
    %slice3A_380 = vector.extract_strided_slice %sub3A_202 {offsets = [2560, 0], sizes = [128, 64], strides = [1, 1]} : vector<4096x64xf32> to vector<128x64xf32>
    %get3A_381 = arith.constant 0 : index
    %get3A_382 = arith.constant 0 : index
    %get3A_383 = vector.load %arg12[%get3A_381, %get3A_382] : memref<128x128xf32, #tpu.memory_space<vmem>>, vector<128x128xf32>
    %dot_general3A_384 = arith.constant dense<0.000000e+00> : vector<64x128xf32>
    %dot_general3A_385 = tpu.matmul %slice3A_380, %get3A_383, %dot_general3A_384 {dimension_numbers = #tpu.dot_dimension_numbers<[0], [0], [1], [1], [0, 1, 1, 1], [], []>, precision = #tpu.contract_precision<fp32>, transpose_lhs_hint = false} : vector<128x64xf32>, vector<128x128xf32>, vector<64x128xf32> -> vector<64x128xf32>
    %swap3A_386 = arith.constant 0 : index
    %swap3A_387 = arith.constant 2560 : index
    %swap3A_388 = vector.load %arg13[%swap3A_386, %swap3A_387] : memref<64x4096xf32, #tpu.memory_space<vmem>>, vector<64x128xf32>
    tpu.vector_store %arg13[%swap3A_386, %swap3A_387], %dot_general3A_385 {strides = array<i32>} : memref<64x4096xf32, #tpu.memory_space<vmem>>, vector<64x128xf32>,
    %slice3A_389 = vector.extract_strided_slice %sub3A_202 {offsets = [2688, 0], sizes = [128, 64], strides = [1, 1]} : vector<4096x64xf32> to vector<128x64xf32>
    %get3A_390 = arith.constant 0 : index
    %get3A_391 = arith.constant 0 : index
    %get3A_392 = vector.load %arg12[%get3A_390, %get3A_391] : memref<128x128xf32, #tpu.memory_space<vmem>>, vector<128x128xf32>
    %dot_general3A_393 = arith.constant dense<0.000000e+00> : vector<64x128xf32>
    %dot_general3A_394 = tpu.matmul %slice3A_389, %get3A_392, %dot_general3A_393 {dimension_numbers = #tpu.dot_dimension_numbers<[0], [0], [1], [1], [0, 1, 1, 1], [], []>, precision = #tpu.contract_precision<fp32>, transpose_lhs_hint = false} : vector<128x64xf32>, vector<128x128xf32>, vector<64x128xf32> -> vector<64x128xf32>
    %swap3A_395 = arith.constant 0 : index
    %swap3A_396 = arith.constant 2688 : index
    %swap3A_397 = vector.load %arg13[%swap3A_395, %swap3A_396] : memref<64x4096xf32, #tpu.memory_space<vmem>>, vector<64x128xf32>
    tpu.vector_store %arg13[%swap3A_395, %swap3A_396], %dot_general3A_394 {strides = array<i32>} : memref<64x4096xf32, #tpu.memory_space<vmem>>, vector<64x128xf32>,
    %slice3A_398 = vector.extract_strided_slice %sub3A_202 {offsets = [2816, 0], sizes = [128, 64], strides = [1, 1]} : vector<4096x64xf32> to vector<128x64xf32>
    %get3A_399 = arith.constant 0 : index
    %get3A_400 = arith.constant 0 : index
    %get3A_401 = vector.load %arg12[%get3A_399, %get3A_400] : memref<128x128xf32, #tpu.memory_space<vmem>>, vector<128x128xf32>
    %dot_general3A_402 = arith.constant dense<0.000000e+00> : vector<64x128xf32>
    %dot_general3A_403 = tpu.matmul %slice3A_398, %get3A_401, %dot_general3A_402 {dimension_numbers = #tpu.dot_dimension_numbers<[0], [0], [1], [1], [0, 1, 1, 1], [], []>, precision = #tpu.contract_precision<fp32>, transpose_lhs_hint = false} : vector<128x64xf32>, vector<128x128xf32>, vector<64x128xf32> -> vector<64x128xf32>
    %swap3A_404 = arith.constant 0 : index
    %swap3A_405 = arith.constant 2816 : index
    %swap3A_406 = vector.load %arg13[%swap3A_404, %swap3A_405] : memref<64x4096xf32, #tpu.memory_space<vmem>>, vector<64x128xf32>
    tpu.vector_store %arg13[%swap3A_404, %swap3A_405], %dot_general3A_403 {strides = array<i32>} : memref<64x4096xf32, #tpu.memory_space<vmem>>, vector<64x128xf32>,
    %slice3A_407 = vector.extract_strided_slice %sub3A_202 {offsets = [2944, 0], sizes = [128, 64], strides = [1, 1]} : vector<4096x64xf32> to vector<128x64xf32>
    %get3A_408 = arith.constant 0 : index
    %get3A_409 = arith.constant 0 : index
    %get3A_410 = vector.load %arg12[%get3A_408, %get3A_409] : memref<128x128xf32, #tpu.memory_space<vmem>>, vector<128x128xf32>
    %dot_general3A_411 = arith.constant dense<0.000000e+00> : vector<64x128xf32>
    %dot_general3A_412 = tpu.matmul %slice3A_407, %get3A_410, %dot_general3A_411 {dimension_numbers = #tpu.dot_dimension_numbers<[0], [0], [1], [1], [0, 1, 1, 1], [], []>, precision = #tpu.contract_precision<fp32>, transpose_lhs_hint = false} : vector<128x64xf32>, vector<128x128xf32>, vector<64x128xf32> -> vector<64x128xf32>
    %swap3A_413 = arith.constant 0 : index
    %swap3A_414 = arith.constant 2944 : index
    %swap3A_415 = vector.load %arg13[%swap3A_413, %swap3A_414] : memref<64x4096xf32, #tpu.memory_space<vmem>>, vector<64x128xf32>
    tpu.vector_store %arg13[%swap3A_413, %swap3A_414], %dot_general3A_412 {strides = array<i32>} : memref<64x4096xf32, #tpu.memory_space<vmem>>, vector<64x128xf32>,
    %slice3A_416 = vector.extract_strided_slice %sub3A_202 {offsets = [3072, 0], sizes = [128, 64], strides = [1, 1]} : vector<4096x64xf32> to vector<128x64xf32>
    %get3A_417 = arith.constant 0 : index
    %get3A_418 = arith.constant 0 : index
    %get3A_419 = vector.load %arg12[%get3A_417, %get3A_418] : memref<128x128xf32, #tpu.memory_space<vmem>>, vector<128x128xf32>
    %dot_general3A_420 = arith.constant dense<0.000000e+00> : vector<64x128xf32>
    %dot_general3A_421 = tpu.matmul %slice3A_416, %get3A_419, %dot_general3A_420 {dimension_numbers = #tpu.dot_dimension_numbers<[0], [0], [1], [1], [0, 1, 1, 1], [], []>, precision = #tpu.contract_precision<fp32>, transpose_lhs_hint = false} : vector<128x64xf32>, vector<128x128xf32>, vector<64x128xf32> -> vector<64x128xf32>
    %swap3A_422 = arith.constant 0 : index
    %swap3A_423 = arith.constant 3072 : index
    %swap3A_424 = vector.load %arg13[%swap3A_422, %swap3A_423] : memref<64x4096xf32, #tpu.memory_space<vmem>>, vector<64x128xf32>
    tpu.vector_store %arg13[%swap3A_422, %swap3A_423], %dot_general3A_421 {strides = array<i32>} : memref<64x4096xf32, #tpu.memory_space<vmem>>, vector<64x128xf32>,
    %slice3A_425 = vector.extract_strided_slice %sub3A_202 {offsets = [3200, 0], sizes = [128, 64], strides = [1, 1]} : vector<4096x64xf32> to vector<128x64xf32>
    %get3A_426 = arith.constant 0 : index
    %get3A_427 = arith.constant 0 : index
    %get3A_428 = vector.load %arg12[%get3A_426, %get3A_427] : memref<128x128xf32, #tpu.memory_space<vmem>>, vector<128x128xf32>
    %dot_general3A_429 = arith.constant dense<0.000000e+00> : vector<64x128xf32>
    %dot_general3A_430 = tpu.matmul %slice3A_425, %get3A_428, %dot_general3A_429 {dimension_numbers = #tpu.dot_dimension_numbers<[0], [0], [1], [1], [0, 1, 1, 1], [], []>, precision = #tpu.contract_precision<fp32>, transpose_lhs_hint = false} : vector<128x64xf32>, vector<128x128xf32>, vector<64x128xf32> -> vector<64x128xf32>
    %swap3A_431 = arith.constant 0 : index
    %swap3A_432 = arith.constant 3200 : index
    %swap3A_433 = vector.load %arg13[%swap3A_431, %swap3A_432] : memref<64x4096xf32, #tpu.memory_space<vmem>>, vector<64x128xf32>
    tpu.vector_store %arg13[%swap3A_431, %swap3A_432], %dot_general3A_430 {strides = array<i32>} : memref<64x4096xf32, #tpu.memory_space<vmem>>, vector<64x128xf32>,
    %slice3A_434 = vector.extract_strided_slice %sub3A_202 {offsets = [3328, 0], sizes = [128, 64], strides = [1, 1]} : vector<4096x64xf32> to vector<128x64xf32>
    %get3A_435 = arith.constant 0 : index
    %get3A_436 = arith.constant 0 : index
    %get3A_437 = vector.load %arg12[%get3A_435, %get3A_436] : memref<128x128xf32, #tpu.memory_space<vmem>>, vector<128x128xf32>
    %dot_general3A_438 = arith.constant dense<0.000000e+00> : vector<64x128xf32>
    %dot_general3A_439 = tpu.matmul %slice3A_434, %get3A_437, %dot_general3A_438 {dimension_numbers = #tpu.dot_dimension_numbers<[0], [0], [1], [1], [0, 1, 1, 1], [], []>, precision = #tpu.contract_precision<fp32>, transpose_lhs_hint = false} : vector<128x64xf32>, vector<128x128xf32>, vector<64x128xf32> -> vector<64x128xf32>
    %swap3A_440 = arith.constant 0 : index
    %swap3A_441 = arith.constant 3328 : index
    %swap3A_442 = vector.load %arg13[%swap3A_440, %swap3A_441] : memref<64x4096xf32, #tpu.memory_space<vmem>>, vector<64x128xf32>
    tpu.vector_store %arg13[%swap3A_440, %swap3A_441], %dot_general3A_439 {strides = array<i32>} : memref<64x4096xf32, #tpu.memory_space<vmem>>, vector<64x128xf32>,
    %slice3A_443 = vector.extract_strided_slice %sub3A_202 {offsets = [3456, 0], sizes = [128, 64], strides = [1, 1]} : vector<4096x64xf32> to vector<128x64xf32>
    %get3A_444 = arith.constant 0 : index
    %get3A_445 = arith.constant 0 : index
    %get3A_446 = vector.load %arg12[%get3A_444, %get3A_445] : memref<128x128xf32, #tpu.memory_space<vmem>>, vector<128x128xf32>
    %dot_general3A_447 = arith.constant dense<0.000000e+00> : vector<64x128xf32>
    %dot_general3A_448 = tpu.matmul %slice3A_443, %get3A_446, %dot_general3A_447 {dimension_numbers = #tpu.dot_dimension_numbers<[0], [0], [1], [1], [0, 1, 1, 1], [], []>, precision = #tpu.contract_precision<fp32>, transpose_lhs_hint = false} : vector<128x64xf32>, vector<128x128xf32>, vector<64x128xf32> -> vector<64x128xf32>
    %swap3A_449 = arith.constant 0 : index
    %swap3A_450 = arith.constant 3456 : index
    %swap3A_451 = vector.load %arg13[%swap3A_449, %swap3A_450] : memref<64x4096xf32, #tpu.memory_space<vmem>>, vector<64x128xf32>
    tpu.vector_store %arg13[%swap3A_449, %swap3A_450], %dot_general3A_448 {strides = array<i32>} : memref<64x4096xf32, #tpu.memory_space<vmem>>, vector<64x128xf32>,
    %slice3A_452 = vector.extract_strided_slice %sub3A_202 {offsets = [3584, 0], sizes = [128, 64], strides = [1, 1]} : vector<4096x64xf32> to vector<128x64xf32>
    %get3A_453 = arith.constant 0 : index
    %get3A_454 = arith.constant 0 : index
    %get3A_455 = vector.load %arg12[%get3A_453, %get3A_454] : memref<128x128xf32, #tpu.memory_space<vmem>>, vector<128x128xf32>
    %dot_general3A_456 = arith.constant dense<0.000000e+00> : vector<64x128xf32>
    %dot_general3A_457 = tpu.matmul %slice3A_452, %get3A_455, %dot_general3A_456 {dimension_numbers = #tpu.dot_dimension_numbers<[0], [0], [1], [1], [0, 1, 1, 1], [], []>, precision = #tpu.contract_precision<fp32>, transpose_lhs_hint = false} : vector<128x64xf32>, vector<128x128xf32>, vector<64x128xf32> -> vector<64x128xf32>
    %swap3A_458 = arith.constant 0 : index
    %swap3A_459 = arith.constant 3584 : index
    %swap3A_460 = vector.load %arg13[%swap3A_458, %swap3A_459] : memref<64x4096xf32, #tpu.memory_space<vmem>>, vector<64x128xf32>
    tpu.vector_store %arg13[%swap3A_458, %swap3A_459], %dot_general3A_457 {strides = array<i32>} : memref<64x4096xf32, #tpu.memory_space<vmem>>, vector<64x128xf32>,
    %slice3A_461 = vector.extract_strided_slice %sub3A_202 {offsets = [3712, 0], sizes = [128, 64], strides = [1, 1]} : vector<4096x64xf32> to vector<128x64xf32>
    %get3A_462 = arith.constant 0 : index
    %get3A_463 = arith.constant 0 : index
    %get3A_464 = vector.load %arg12[%get3A_462, %get3A_463] : memref<128x128xf32, #tpu.memory_space<vmem>>, vector<128x128xf32>
    %dot_general3A_465 = arith.constant dense<0.000000e+00> : vector<64x128xf32>
    %dot_general3A_466 = tpu.matmul %slice3A_461, %get3A_464, %dot_general3A_465 {dimension_numbers = #tpu.dot_dimension_numbers<[0], [0], [1], [1], [0, 1, 1, 1], [], []>, precision = #tpu.contract_precision<fp32>, transpose_lhs_hint = false} : vector<128x64xf32>, vector<128x128xf32>, vector<64x128xf32> -> vector<64x128xf32>
    %swap3A_467 = arith.constant 0 : index
    %swap3A_468 = arith.constant 3712 : index
    %swap3A_469 = vector.load %arg13[%swap3A_467, %swap3A_468] : memref<64x4096xf32, #tpu.memory_space<vmem>>, vector<64x128xf32>
    tpu.vector_store %arg13[%swap3A_467, %swap3A_468], %dot_general3A_466 {strides = array<i32>} : memref<64x4096xf32, #tpu.memory_space<vmem>>, vector<64x128xf32>,
    %slice3A_470 = vector.extract_strided_slice %sub3A_202 {offsets = [3840, 0], sizes = [128, 64], strides = [1, 1]} : vector<4096x64xf32> to vector<128x64xf32>
    %get3A_471 = arith.constant 0 : index
    %get3A_472 = arith.constant 0 : index
    %get3A_473 = vector.load %arg12[%get3A_471, %get3A_472] : memref<128x128xf32, #tpu.memory_space<vmem>>, vector<128x128xf32>
    %dot_general3A_474 = arith.constant dense<0.000000e+00> : vector<64x128xf32>
    %dot_general3A_475 = tpu.matmul %slice3A_470, %get3A_473, %dot_general3A_474 {dimension_numbers = #tpu.dot_dimension_numbers<[0], [0], [1], [1], [0, 1, 1, 1], [], []>, precision = #tpu.contract_precision<fp32>, transpose_lhs_hint = false} : vector<128x64xf32>, vector<128x128xf32>, vector<64x128xf32> -> vector<64x128xf32>
    %swap3A_476 = arith.constant 0 : index
    %swap3A_477 = arith.constant 3840 : index
    %swap3A_478 = vector.load %arg13[%swap3A_476, %swap3A_477] : memref<64x4096xf32, #tpu.memory_space<vmem>>, vector<64x128xf32>
    tpu.vector_store %arg13[%swap3A_476, %swap3A_477], %dot_general3A_475 {strides = array<i32>} : memref<64x4096xf32, #tpu.memory_space<vmem>>, vector<64x128xf32>,
    %slice3A_479 = vector.extract_strided_slice %sub3A_202 {offsets = [3968, 0], sizes = [128, 64], strides = [1, 1]} : vector<4096x64xf32> to vector<128x64xf32>
    %get3A_480 = arith.constant 0 : index
    %get3A_481 = arith.constant 0 : index
    %get3A_482 = vector.load %arg12[%get3A_480, %get3A_481] : memref<128x128xf32, #tpu.memory_space<vmem>>, vector<128x128xf32>
    %dot_general3A_483 = arith.constant dense<0.000000e+00> : vector<64x128xf32>
    %dot_general3A_484 = tpu.matmul %slice3A_479, %get3A_482, %dot_general3A_483 {dimension_numbers = #tpu.dot_dimension_numbers<[0], [0], [1], [1], [0, 1, 1, 1], [], []>, precision = #tpu.contract_precision<fp32>, transpose_lhs_hint = false} : vector<128x64xf32>, vector<128x128xf32>, vector<64x128xf32> -> vector<64x128xf32>
    %swap3A_485 = arith.constant 0 : index
    %swap3A_486 = arith.constant 3968 : index
    %swap3A_487 = vector.load %arg13[%swap3A_485, %swap3A_486] : memref<64x4096xf32, #tpu.memory_space<vmem>>, vector<64x128xf32>
    tpu.vector_store %arg13[%swap3A_485, %swap3A_486], %dot_general3A_484 {strides = array<i32>} : memref<64x4096xf32, #tpu.memory_space<vmem>>, vector<64x128xf32>,
    return
  }
  func.func @transform_0(%arg0: i32) -> i32 {
    %c0_i32 = arith.constant 0 : i32
    %c0_i32_0 = arith.constant 0 : i32
    return %c0_i32 : i32
  }
  func.func @transform_1(%arg0: i32) -> i32 {
    %c0_i32 = arith.constant 0 : i32
    %c0_i32_0 = arith.constant 0 : i32
    return %c0_i32 : i32
  }
  func.func @transform_2(%arg0: i32) -> i32 {
    %c0_i32 = arith.constant 0 : i32
    %c0_i32_0 = arith.constant 0 : i32
    return %c0_i32 : i32
  }
  func.func @transform_3(%arg0: i32) -> i32 {
    %c0_i32 = arith.constant 0 : i32
    %c0_i32_0 = arith.constant 0 : i32
    return %c0_i32 : i32
  }
  func.func @transform_4(%arg0: i32) -> i32 {
    %c0_i32 = arith.constant 0 : i32
    %c0_i32_0 = arith.constant 0 : i32
    return %c0_i32 : i32
  }
  func.func @transform_5(%arg0: i32) -> (i32, i32) {
    %c0_i32 = arith.constant 0 : i32
    %c0_i32_0 = arith.constant 0 : i32
    %c0_i32_1 = arith.constant 0 : i32
    return %c0_i32, %c0_i32_0 : i32, i32
  }
  func.func @transform_6(%arg0: i32) -> (i32, i32) {
    %c0_i32 = arith.constant 0 : i32
    %c0_i32_0 = arith.constant 0 : i32
    %c0_i32_1 = arith.constant 0 : i32
    return %c0_i32, %c0_i32_0 : i32, i32
  }
  func.func @transform_7(%arg0: i32) -> (i32, i32) {
    %c0_i32 = arith.constant 0 : i32
    %c0_i32_0 = arith.constant 0 : i32
    %c0_i32_1 = arith.constant 0 : i32
    return %c0_i32, %c0_i32_0 : i32, i32
  }
  func.func @transform_8(%arg0: i32) -> (i32, i32) {
    %c0_i32 = arith.constant 0 : i32
    %c0_i32_0 = arith.constant 0 : i32
    return %arg0, %c0_i32 : i32, i32
  }
  func.func @transform_9(%arg0: i32) -> (i32, i32) {
    %c0_i32 = arith.constant 0 : i32
    %c0_i32_0 = arith.constant 0 : i32
    return %arg0, %c0_i32 : i32, i32
  }
  func.func @transform_10(%arg0: i32) -> (i32, i32) {
    %c0_i32 = arith.constant 0 : i32
    %c0_i32_0 = arith.constant 0 : i32
    return %arg0, %c0_i32 : i32, i32
  }
  func.func @transform_11(%arg0: i32) -> (i32, i32) {
    %c0_i32 = arith.constant 0 : i32
    %c0_i32_0 = arith.constant 0 : i32
    %c0_i32_1 = arith.constant 0 : i32
    return %c0_i32, %c0_i32_0 : i32, i32
  }
  func.func @transform_12(%arg0: i32) -> (i32, i32) {
    %c0_i32 = arith.constant 0 : i32
    %c0_i32_0 = arith.constant 0 : i32
    return %c0_i32, %arg0 : i32, i32
  }
}

</mosaic_0001>

<sc_bundles>
// kernel: kernel.5.cloned.1.call-start
scs
__scs_entry_jumppad:
0x0: {  	(pc) =	sbr.rel $0x88, $3  }
0x1: {  	(tag) =	ssettag $0x0;
	lr =	simm.s32 $0x1  }
0x2: {  	[smem:$0x3F93] =	sst lr;
	_ =	strace $0xD0000000  }
0x3: {  	_ = 	snop  }
0x4: {  	_ = 	snop  }
0x5: {  	_ = 	snop  }
0x6: {  	_ = 	snop  }
0x7: {  	_ = 	snop  }
__scs_overlays_trampoline_lowered:
0x8: {  	[smem:$0x3FA2] =	sst s0  }
0x9: {  	[smem:$0x3FA3] =	sst s1  }
0xa: {  	[smem:$0x3FA4] =	sst s2  }
0xb: {  	[smem:$0x3FA5] =	sst s3  }
0xc: {  	[smem:$0x3FA6] =	sst s4  }
0xd: {  	[smem:$0x3FA7] =	sst s5  }
0xe: {  	[smem:$0x3FA8] =	sst s6  }
0xf: {  	[smem:$0x3FA9] =	sst s7  }
0x10: {  	[smem:$0x3FAA] =	sst s8  }
0x11: {  	[smem:$0x3FAB] =	sst s9;
	s0 =	simm.s32 @!p0 $0x0  }
0x12: {  	s1 =	sld [smem:$0x3F91];
	s0 =	simm.s32 @p0 $0x1  }
0x13: {  	[smem:$0x3FAC] =	sst s0;
	s0 =	simm.s32 @!p1 $0x0  }
0x14: {  	s2 =	sld [smem:$0x3F90];
	s0 =	simm.s32 @p1 $0x1  }
0x15: {  	[smem:$0x3FAD] =	sst s0;
	s0 =	simm.s32 @!p2 $0x0  }
0x16: {  	s3 =	sld [smem:$0x3FDB];
	s0 =	simm.s32 @p2 $0x1  }
0x17: {  	s4 =	simm.s32 $0x1BF5;
	[smem:$0x3FAF] =	sst s0  }
0x18: {  	s0 =	sld [smem:$0x3F92];
	_ =	swait.ge [sflag:s4], $0x0  }
0x19: {  	s7 =	sld [smem:$0x3F93]  }
0x1a: {  	s8 =	sadd.s32 $0xFFFFE003, lr  }
0x1b: {  	s9 =	sadd.s32 $0xFFFFFEF7, lr;
	s5 =	simm.s32 $0xFFFFFFFF;
	p2 =	slt.u32 s8, $0xFFFFF086  }
0x1c: {  	p1 =	slt.u32 s9, $0xF7A;
	s5 =	simm.s32 @!p2 $0x0  }
0x1d: {  	s5 =	simm.s32 @p1 $0x1;
	p0 =	seq.s32 s7, s2  }
0x1e: {  	s7 =	smul.u32 @!p0 $0xF7A, s2;
	p2 =	seq.s32 @!p0 s5, $0x0  }
0x1f: {  	s9 =	smul.u32 $0xF7A, s1;
	s8 =	simm.s32 @!p0 $0x1BF5;
	p2 =	por !p2, p0  }
0x20: {  	[sflag:s8] =	ssyncset.s32 @!p0 $0xFFFFF086;
	s6 =	sadd.s32 @!p0 s3, s7;
	s7 =	simm.s32 @!p0 $0x108  }
0x21: {  	s3 =	sadd.s32 s3, s9;
	s6 =	sadd.s32 @!p0 $0x88, s6;
	s7 =	simm.s32 @p2 $0x1082  }
0x22: {  	[simem:s7], [sflag:s8] =	dma.local @!p0 [hbm:s6], $0xF7A  }
0x23: {  	s9 =	sor.u32 $0xD0000000, s2;
	s6 =	simm.s32 $0x108;
	_ =	swait.ge @!p0 [sflag:s8], $0x0  }
0x24: {  	s3 =	sadd.s32 $0x88, s3;
	s6 =	simm.s32 @!p1 $0x1082;
	[sflag:s4] =	ssyncset.s32 $0xFFFFF086  }
0x25: {  	[simem:s6], [sflag:s4] =	dma.local [hbm:s3], $0xF7A  }
0x26: {  	[smem:$0x3F93] =	sst s1;
	(tag) =	ssettag s2;
	_ =	strace s9  }
0x27: {  	s1 =	sld [smem:$0x3FA3]  }
0x28: {  	s2 =	sld [smem:$0x3FA4]  }
0x29: {  	s4 =	sld [smem:$0x3FA6]  }
0x2a: {  	p0 =	seq.s32 s5, $0x0;
	s5 =	sld [smem:$0x3FA7]  }
0x2b: {  	s6 =	sld [smem:$0x3FA8]  }
0x2c: {  	s7 =	sld [smem:$0x3FA9]  }
0x2d: {  	s3 =	simm.s32 $0x108;
	s8 =	sld [smem:$0x3FAA]  }
0x2e: {  	s3 =	simm.s32 @!p0 $0x1082;
	s9 =	sld [smem:$0x3FAB]  }
0x2f: {  	lr =	sadd.s32 s0, s3;
	s0 =	sld [smem:$0x3FA2]  }
0x30: {  	s3 =	sld [smem:$0x3FA5]  }
0x31: {  	[smem:$0x3FAE] =	sst s10  }
0x32: {  	s10 =	sld [smem:$0x3FAC];
	_ =	sdelay $0x3  }
0x33: {  	p0 =	seq.s32 s10, $0x1;
	s10 =	sld [smem:$0x3FAE];
	_ =	sdelay $0x3  }
0x34: {  	[smem:$0x3FAE] =	sst s10  }
0x35: {  	s10 =	sld [smem:$0x3FAD];
	_ =	sdelay $0x3  }
0x36: {  	p1 =	seq.s32 s10, $0x1;
	s10 =	sld [smem:$0x3FAE];
	_ =	sdelay $0x3  }
0x37: {  	[smem:$0x3FAE] =	sst s10  }
0x38: {  	s10 =	sld [smem:$0x3FAF]  }
0x39: {  	_ = 	snop;
	(pc) =	sbr.ind lr, $3  }
0x3a: {  	_ = 	snop  }
0x3b: {  	_ = 	snop  }
0x3c: {  	p2 =	seq.s32 s10, $0x1;
	s10 =	sld [smem:$0x3FAE]  }
0x3d: {  	_ =	shalt  }
0x3e: {  	_ =	shalt  }
0x3f: {  	_ =	shalt  }
0x40: {  	_ =	shalt  }
0x41: {  	_ =	shalt  }
0x42: {  	_ =	shalt  }
0x43: {  	_ =	shalt  }
0x44: {  	_ =	shalt  }
0x45: {  	_ =	shalt  }
0x46: {  	_ =	shalt  }
0x47: {  	_ =	shalt  }
0x48: {  	_ =	shalt  }
0x49: {  	_ =	shalt  }
0x4a: {  	_ =	shalt  }
0x4b: {  	_ =	shalt  }
0x4c: {  	_ =	shalt  }
0x4d: {  	_ =	shalt  }
0x4e: {  	_ =	shalt  }
0x4f: {  	_ =	shalt  }
0x50: {  	_ =	shalt  }
0x51: {  	_ =	shalt  }
0x52: {  	_ =	shalt  }
0x53: {  	_ =	shalt  }
0x54: {  	_ =	shalt  }
0x55: {  	_ =	shalt  }
0x56: {  	_ =	shalt  }
0x57: {  	_ =	shalt  }
0x58: {  	_ =	shalt  }
0x59: {  	_ =	shalt  }
0x5a: {  	_ =	shalt  }
0x5b: {  	_ =	shalt  }
0x5c: {  	_ =	shalt  }
0x5d: {  	_ =	shalt  }
0x5e: {  	_ =	shalt  }
0x5f: {  	_ =	shalt  }
0x60: {  	_ =	shalt  }
0x61: {  	_ =	shalt  }
0x62: {  	_ =	shalt  }
0x63: {  	_ =	shalt  }
0x64: {  	_ =	shalt  }
0x65: {  	_ =	shalt  }
0x66: {  	_ =	shalt  }
0x67: {  	_ =	shalt  }
0x68: {  	_ =	shalt  }
0x69: {  	_ =	shalt  }
0x6a: {  	_ =	shalt  }
0x6b: {  	_ =	shalt  }
0x6c: {  	_ =	shalt  }
0x6d: {  	_ =	shalt  }
0x6e: {  	_ =	shalt  }
0x6f: {  	_ =	shalt  }
0x70: {  	_ =	shalt  }
0x71: {  	_ =	shalt  }
0x72: {  	_ =	shalt  }
0x73: {  	_ =	shalt  }
0x74: {  	_ =	shalt  }
0x75: {  	_ =	shalt  }
0x76: {  	_ =	shalt  }
0x77: {  	_ =	shalt  }
0x78: {  	_ =	shalt  }
0x79: {  	_ =	shalt  }
0x7a: {  	_ =	shalt  }
0x7b: {  	_ =	shalt  }
0x7c: {  	_ =	shalt  }
0x7d: {  	_ =	shalt  }
0x7e: {  	_ =	shalt  }
0x7f: {  	_ =	shalt  }
0x80: {  	_ =	shalt  }
0x81: {  	_ =	shalt  }
0x82: {  	_ =	shalt  }
0x83: {  	_ =	shalt  }
0x84: {  	_ =	shalt  }
0x85: {  	_ =	shalt  }
0x86: {  	_ =	shalt  }
0x87: {  	_ =	shalt  }
.Lfunc_end0:
.L_simem_size_0:
called_computation_lowered:
.L_overlay_start_0:
0x88: {  	s2 =	sld [smem:$0x3FD9]  }
0x89: {  	s3 =	sld [smem:$0x3FFE];
	_ =	sdelay $0x1  }
0x8a: {  	s1 =	srdreg.scid  }
0x8b: {  	s0 =	sand.u32 $0x1, s1  }
0x8c: {  	s17 =	sshll.u32 s0, $0xA;
	s2 =	sadd.s32 s3, s2  }
0x8d: {  	s2 =	sadd.s32 s2, s17  }
0x8e: {  	[smem:$0x3FBA] =	sst s2  }
0x8f: {  	_ = 	snop  }
0x90: {  	s2 =	sld [smem:$0x3FC9]  }
0x91: {  	s18 =	sld [smem:$0x3FC8];
	(tm) =	ssettm $0x1  }
0x92: {  	s4 =	sld [smem:$0x3FFB];
	_ =	sdelay $0x3  }
0x93: {  	_ =	strace s4  }
0x94: {  	s4 =	sld [smem:$0x3FFC];
	_ =	sdelay $0x3  }
0x95: {  	_ =	strace s4  }
0x96: {  	s4 =	sld [smem:$0x3FFD];
	_ =	sdelay $0x3  }
0x97: {  	_ =	strace s4  }
0x98: {  	_ =	strace $0x8FFFFFFF  }
0x99: {  	s19 =	sld [smem:$0x3FDB];
	_ =	sdelay $0x1  }
0x9a: {  	s5 =	simm.s32 $_scs_section_size  }
0x9b: {  	s6 =	simm.s32 $_size__tile_overlayer_lowered;
	s7 =	simm.s32 $_tile_overlayer_lowered  }
0x9c: {  	s22 =	simm.s32 $0x1BFF;
	s21 =	sshll.u32 s7, $0x1;
	s4 =	sadd.s32 s5, s19  }
0x9d: {  	s8 =	simm.s32 $0x0;
	s20 =	sshll.u32 s6, $0x1;
	s6 =	sadd.s32 s21, s4  }
0x9e: {  	[timem:s8], [sflag:s22] =	dma.local [hbm:s6], s20  }
0x9f: {  	_ =	swait.ge [sflag:s22], s20  }
0xa0: {  	s5 =	ssub.s32 $0x0, s20;
	[sflag:s22] =	ssyncset.done $0x0  }
0xa1: {  	[sflag:s22] =	ssyncadd.s32 s5;
	_ =	sdelay $0x1  }
0xa2: {  	s23 =	simm.s32 $0x1B8B  }
0xa3: {  	_ =	swait.ge [sflag:s23], $0x1  }
0xa4: {  	[sflag:s23] =	ssyncset.done $0x0  }
0xa5: {  	s25 =	simm.s32 $0x1B8E;
	s24 =	sld [smem:$0x3FFE];
	[sflag:s23] =	ssyncadd.s32 $0xFFFFFFFF  }
0xa6: {  	s26 =	simm.s32 $execute0_lowered;
	[smem:$0x3FD2] =	sst s25  }
0xa7: {  	s6 =	sshll.u32 s26, $0x1;
	_ =	strace $0x80000046;
	[dreg:$0x1] =	wrdreg $0xFFFFFFFF  }
0xa8: {  	s28 =	simm.s32 $_size_execute0_lowered;
	s4 =	sadd.s32 s4, s6;
	[dreg:$0x0] =	wrdreg $0x0  }
0xa9: {  	s6 =	sshll.u32 s28, $0x1;
	[dreg:$0x2] =	wrdreg s4  }
0xaa: {  	[dreg:$0x3] =	wrdreg s6  }
0xab: {  	[dreg:$0x4] =	wrdreg $0xC0  }
0xac: {  	_ =	task [dreg:s8], $0x5FFFF  }
0xad: {  	[dreg:$0x1] =	wrdreg $0xFFFFFFFF  }
0xae: {  	[dreg:$0x0] =	wrdreg $0x60  }
0xaf: {  	[dreg:$0x2] =	wrdreg s24  }
0xb0: {  	[dreg:$0x3] =	wrdreg s2  }
0xb1: {  	[dreg:$0x4] =	wrdreg s18  }
0xb2: {  	[dreg:$0x5] =	wrdreg $0x9  }
0xb3: {  	_ =	task.clear_ibuf [dreg:s8], $0x6FFFF;
	_ =	strace $0x90000046  }
0xb4: {  	s29 =	simm.s32 $0x9;
	_ =	strace $0x80000048  }
0xb5: {  	_ =	swait.ge [sflag:s29], $0x1  }
0xb6: {  	[sflag:s29] =	ssyncadd.s32 $0xFFFFFFFF  }
0xb7: {  	_ =	strace $0x90000048  }
0xb8: {  	_ =	sfence  }
0xb9: {  	s30 =	sld [smem:$0x0];
	_ =	sdelay $0x2  }
0xba: {  	s31 =	sshll.u32 s1, $0xD;
	s1 =	sshrl.u32 s1, $0x2  }
0xbb: {  	s3 =	sand.u32 $0x4000, s31;
	s1 =	sadd.s32 s1, s30  }
0xbc: {  	s0 =	sor.u32 s3, s0;
	s1 =	sshll.u32 s1, $0x11  }
0xbd: {  	s0 =	sor.u32 s1, s0  }
0xbe: {  	s0 =	sadd.s32 $0x8F2B, s0  }
0xbf: {  	[sflag:s0] =	ssyncadd.remote.s32 $0x1  }
0xc0: {  	_ =	sfence.sel $0xFFFF  }
0xc1: {  	[dreg:$0x0] =	wrdreg $0xFFFFFFFF;
	(pc) =	sbr.abs _section_cstart, $3  }
0xc2: {  	[dreg:$0x1] =	wrdreg $0xFFFFFFFF  }
0xc3: {  	_ =	task.clear_ibuf [dreg:s8], $0x2FFFF;
	_ =	strace $0x9FFFFFFF  }
0xc4: {  	(tm) =	ssettm $0x7FFFFFFF  }
0xc5: {  	_ =	shalt  }
tec
execute0_lowered:
.L_overlay_start_1:
0x0: {  	(tag) =	ssettag $0x1  }
0x1: {  	s16 =	rddreg [dreg:$0x0];
	s1 =	srdreg.scid  }
0x2: {  	s3 =	rddreg [dreg:$0x1];
	s0 =	stileid.u32;
	s20 =	sand.u32 $0x1, s1  }
0x3: {  	s5 =	rddreg [dreg:$0x2];
	s4 =	sshll.u32 s0, $0xA;
	s6 =	sshll.u32 s20, $0x9  }
0x4: {  	s2 =	simm.s32 $0x0;
	s1 =	rddreg [dreg:$0x3];
	s17 =	sor.u32 s6, s4  }
0x5: {  	[smem:$0x7FF] =	sst s2;
	s6 =	sshrl.u32 s17, $0x3  }
0x6: {  	_ =	strace $0x80000047;
	s4 =	sadd.s32 s3, s6;
	s3 =	simm.s32 $0x2  }
0x7: {  	[tilespmem:s2], [sflag:$0x2] =	stream.linear.gather [hbm4b:s4+s2], $0x200, $0x38;
	[tilespmem:$0x10400] =	vst v63  }
0x8: {  	_ =	swait.ge [sflag:s3], $0x200  }
0x9: {  	[sflag:s3] =	ssyncset.done $0x0  }
0xa: {  	s5 =	sadd.s32 s5, s6;
	s6 =	simm.s32 $0x200;
	[sflag:s3] =	ssyncadd.s32 $0xFFFFFE00  }
0xb: {  	[tilespmem:s6], [sflag:$0x2] =	stream.linear.gather [hbm4b:s5+s2], $0x200, $0x38;
	[tilespmem:$0x10400] =	vst v63  }
0xc: {  	_ =	swait.ge [sflag:s3], $0x200  }
0xd: {  	s8 =	simm.s32 $0x80;
	[sflag:s3] =	ssyncset.done $0x0  }
0xe: {  	s9 =	simm.s32 $0x400;
	s7 =	sadd.s32 $0x1A00, s16;
	[sflag:s3] =	ssyncadd.s32 $0xFFFFFE00  }
0xf: {  	[tilespmem:s9], [sflag:$0x1] =	stream.indirect.gather [hbm4b:s7+s8], $0x80, s2, s8, $0xb8;
	[tilespmem:$0x10400] =	vst v63  }
0x10: {  	s10 =	simm.s32 $0x4400  }
0x11: {  	[tilespmem:s10], [sflag:$0x1] =	stream.indirect.gather [hbm4b:s7+s8], $0x80, s8, s8, $0xb8;
	[tilespmem:$0x10400] =	vst v63  }
0x12: {  	s11 =	simm.s32 $0x100;
	s12 =	simm.s32 $0x8400  }
0x13: {  	[tilespmem:s12], [sflag:$0x1] =	stream.indirect.gather [hbm4b:s7+s8], $0x80, s11, s8, $0xb8;
	[tilespmem:$0x10400] =	vst v63  }
0x14: {  	s13 =	simm.s32 $0x180;
	s14 =	simm.s32 $0xC400;
	s15 =	simm.s32 $0x1  }
0x15: {  	[tilespmem:s14], [sflag:$0x1] =	stream.indirect.gather [hbm4b:s7+s8], $0x80, s13, s8, $0xb8;
	[tilespmem:$0x10400] =	vst v63  }
0x16: {  	_ =	swait.ge [sflag:s15], $0x4000  }
0x17: {  	[sflag:s15] =	ssyncset.done $0x0  }
0x18: {  	[sflag:s15] =	ssyncadd.s32 $0xFFFFC000  }
0x19: {  	_ =	swait.ge [sflag:s15], $0x4000  }
0x1a: {  	[sflag:s15] =	ssyncset.done $0x0  }
0x1b: {  	[sflag:s15] =	ssyncadd.s32 $0xFFFFC000  }
0x1c: {  	_ =	swait.ge [sflag:s15], $0x4000  }
0x1d: {  	[sflag:s15] =	ssyncset.done $0x0  }
0x1e: {  	[sflag:s15] =	ssyncadd.s32 $0xFFFFC000  }
0x1f: {  	s17 =	sshll.u32 s17, $0x4;
	_ =	swait.ge [sflag:s15], $0x4000  }
0x20: {  	s21 =	sadd.s32 s17, s16;
	[sflag:s15] =	ssyncset.done $0x0  }
0x21: {  	s16 =	sadd.s32 $0x188400, s21;
	[sflag:s15] =	ssyncadd.s32 $0xFFFFC000  }
0x22: {  	[hbm4b:s16+s2] =	stream.linear.scatter [tilespmem:s9], [sflag:$0x2], $0x10000, $0x38;
	[tilespmem:$0x10400] =	vst v63  }
0x23: {  	_ =	swait.ge [sflag:s3], $0x10000  }
0x24: {  	[sflag:s3] =	ssyncset.done $0x0  }
0x25: {  	[sflag:s3] =	ssyncadd.s32 $0xFFFF0000  }
0x26: {  	[tilespmem:s9], [sflag:$0x1] =	stream.indirect.gather [hbm4b:s7+s8], $0x80, s6, s8, $0xb8;
	[tilespmem:$0x10400] =	vst v63  }
0x27: {  	s17 =	simm.s32 $0x280  }
0x28: {  	[tilespmem:s10], [sflag:$0x1] =	stream.indirect.gather [hbm4b:s7+s8], $0x80, s17, s8, $0xb8;
	[tilespmem:$0x10400] =	vst v63  }
0x29: {  	s18 =	simm.s32 $0x300  }
0x2a: {  	[tilespmem:s12], [sflag:$0x1] =	stream.indirect.gather [hbm4b:s7+s8], $0x80, s18, s8, $0xb8;
	[tilespmem:$0x10400] =	vst v63  }
0x2b: {  	s19 =	simm.s32 $0x380  }
0x2c: {  	[tilespmem:s14], [sflag:$0x1] =	stream.indirect.gather [hbm4b:s7+s8], $0x80, s19, s8, $0xb8;
	[tilespmem:$0x10400] =	vst v63  }
0x2d: {  	_ =	swait.ge [sflag:s15], $0x4000  }
0x2e: {  	[sflag:s15] =	ssyncset.done $0x0  }
0x2f: {  	[sflag:s15] =	ssyncadd.s32 $0xFFFFC000  }
0x30: {  	_ =	swait.ge [sflag:s15], $0x4000  }
0x31: {  	[sflag:s15] =	ssyncset.done $0x0  }
0x32: {  	s20 =	ssub.s32 $0x2, s20;
	[sflag:s15] =	ssyncadd.s32 $0xFFFFC000  }
0x33: {  	s22 =	sshrl.u32 s20, $0x1;
	_ =	swait.ge [sflag:s15], $0x4000  }
0x34: {  	s22 =	ssub.s32 s20, s22;
	[sflag:s15] =	ssyncset.done $0x0  }
0x35: {  	s31 =	smax.u32 s22, $0x1;
	[sflag:s15] =	ssyncadd.s32 $0xFFFFC000  }
0x36: {  	p0 =	sne.s32 s31, $0x1;
	_ =	swait.ge [sflag:s15], $0x4000  }
.Ltmp0:
0x37: {  	[sflag:s15] =	ssyncset.done $0x0;
	(pc) =	sbr.rel @!p0 .LBB2_2-.Ltmp0, $4  }
0x38: {  	s20 =	sadd.s32 $0x1C8400, s21;
	[sflag:s15] =	ssyncadd.s32 $0xFFFFC000  }
0x39: {  	[hbm4b:s20+s2] =	stream.linear.scatter [tilespmem:s9], [sflag:$0x2], $0x10000, $0x38;
	[tilespmem:$0x10400] =	vst v63  }
0x3a: {  	_ =	swait.ge [sflag:s3], $0x10000  }
0x3b: {  	s21 =	sadd.s32 $0xFFFFFFFF, s31;
	[sflag:s3] =	ssyncset.done $0x0  }
.LBB2_1:
0x3c: {  	p0 =	sne.s32 s21, $0x1;
	s21 =	sadd.s32 $0xFFFFFFFF, s21;
	[sflag:s3] =	ssyncadd.s32 $0xFFFF0000  }
0x3d: {  	[tilespmem:s2], [sflag:$0x2] =	stream.linear.gather [hbm4b:s4+s2], $0x200, $0x38;
	[tilespmem:$0x10400] =	vst v63  }
0x3e: {  	_ =	swait.ge [sflag:s3], $0x200  }
0x3f: {  	[sflag:s3] =	ssyncset.done $0x0  }
0x40: {  	[sflag:s3] =	ssyncadd.s32 $0xFFFFFE00  }
0x41: {  	[tilespmem:s6], [sflag:$0x2] =	stream.linear.gather [hbm4b:s5+s2], $0x200, $0x38;
	[tilespmem:$0x10400] =	vst v63  }
0x42: {  	_ =	swait.ge [sflag:s3], $0x200  }
0x43: {  	[sflag:s3] =	ssyncset.done $0x0  }
0x44: {  	[sflag:s3] =	ssyncadd.s32 $0xFFFFFE00  }
0x45: {  	[tilespmem:s9], [sflag:$0x1] =	stream.indirect.gather [hbm4b:s7+s8], $0x80, s2, s8, $0xb8;
	[tilespmem:$0x10400] =	vst v63  }
0x46: {  	_ = 	snop  }
0x47: {  	[tilespmem:s10], [sflag:$0x1] =	stream.indirect.gather [hbm4b:s7+s8], $0x80, s8, s8, $0xb8;
	[tilespmem:$0x10400] =	vst v63  }
0x48: {  	_ = 	snop  }
0x49: {  	[tilespmem:s12], [sflag:$0x1] =	stream.indirect.gather [hbm4b:s7+s8], $0x80, s11, s8, $0xb8;
	[tilespmem:$0x10400] =	vst v63  }
0x4a: {  	_ = 	snop  }
0x4b: {  	[tilespmem:s14], [sflag:$0x1] =	stream.indirect.gather [hbm4b:s7+s8], $0x80, s13, s8, $0xb8;
	[tilespmem:$0x10400] =	vst v63  }
0x4c: {  	_ =	swait.ge [sflag:s15], $0x4000  }
0x4d: {  	[sflag:s15] =	ssyncset.done $0x0  }
0x4e: {  	[sflag:s15] =	ssyncadd.s32 $0xFFFFC000  }
0x4f: {  	_ =	swait.ge [sflag:s15], $0x4000  }
0x50: {  	[sflag:s15] =	ssyncset.done $0x0  }
0x51: {  	[sflag:s15] =	ssyncadd.s32 $0xFFFFC000  }
0x52: {  	_ =	swait.ge [sflag:s15], $0x4000  }
0x53: {  	[sflag:s15] =	ssyncset.done $0x0  }
0x54: {  	[sflag:s15] =	ssyncadd.s32 $0xFFFFC000  }
0x55: {  	_ =	swait.ge [sflag:s15], $0x4000  }
0x56: {  	[sflag:s15] =	ssyncset.done $0x0  }
0x57: {  	[sflag:s15] =	ssyncadd.s32 $0xFFFFC000  }
0x58: {  	[hbm4b:s16+s2] =	stream.linear.scatter [tilespmem:s9], [sflag:$0x2], $0x10000, $0x38;
	[tilespmem:$0x10400] =	vst v63  }
0x59: {  	_ =	swait.ge [sflag:s3], $0x10000  }
0x5a: {  	[sflag:s3] =	ssyncset.done $0x0  }
0x5b: {  	[sflag:s3] =	ssyncadd.s32 $0xFFFF0000  }
0x5c: {  	[tilespmem:s9], [sflag:$0x1] =	stream.indirect.gather [hbm4b:s7+s8], $0x80, s6, s8, $0xb8;
	[tilespmem:$0x10400] =	vst v63  }
0x5d: {  	_ = 	snop  }
0x5e: {  	[tilespmem:s10], [sflag:$0x1] =	stream.indirect.gather [hbm4b:s7+s8], $0x80, s17, s8, $0xb8;
	[tilespmem:$0x10400] =	vst v63  }
0x5f: {  	_ = 	snop  }
0x60: {  	[tilespmem:s12], [sflag:$0x1] =	stream.indirect.gather [hbm4b:s7+s8], $0x80, s18, s8, $0xb8;
	[tilespmem:$0x10400] =	vst v63  }
0x61: {  	_ = 	snop  }
0x62: {  	[tilespmem:s14], [sflag:$0x1] =	stream.indirect.gather [hbm4b:s7+s8], $0x80, s19, s8, $0xb8;
	[tilespmem:$0x10400] =	vst v63  }
0x63: {  	_ =	swait.ge [sflag:s15], $0x4000  }
0x64: {  	[sflag:s15] =	ssyncset.done $0x0  }
0x65: {  	[sflag:s15] =	ssyncadd.s32 $0xFFFFC000  }
0x66: {  	_ =	swait.ge [sflag:s15], $0x4000  }
0x67: {  	[sflag:s15] =	ssyncset.done $0x0  }
0x68: {  	[sflag:s15] =	ssyncadd.s32 $0xFFFFC000  }
0x69: {  	_ =	swait.ge [sflag:s15], $0x4000  }
0x6a: {  	[sflag:s15] =	ssyncset.done $0x0  }
0x6b: {  	[sflag:s15] =	ssyncadd.s32 $0xFFFFC000  }
0x6c: {  	_ =	swait.ge [sflag:s15], $0x4000  }
.Ltmp1:
0x6d: {  	[sflag:s15] =	ssyncset.done $0x0;
	(pc) =	sbr.rel @p0 .LBB2_1-.Ltmp1, $4  }
0x6e: {  	[sflag:s15] =	ssyncadd.s32 $0xFFFFC000  }
0x6f: {  	[hbm4b:s20+s2] =	stream.linear.scatter [tilespmem:s9], [sflag:$0x2], $0x10000, $0x38;
	[tilespmem:$0x10400] =	vst v63  }
0x70: {  	_ =	swait.ge [sflag:s3], $0x10000  }
0x71: {  	[sflag:s3] =	ssyncset.done $0x0  }
.LBB2_2:
0x72: {  	[sflag:s3] =	ssyncadd.s32 $0xFFFF0000  }
0x73: {  	_ =	sfence.sel $0x180000  }
0x74: {  	[bflag:$0x0] =	sbarrier.arrive $0xFFFF  }
0x75: {  	p0 =	sne.s32 s0, $0x0;
	_ =	strace $0x90000047  }
0x76: {  	s0 =	sadd.s32 @!p0 $0x100000, s1;
	[bflag:$0x2] =	sbarrier.arrive $0xFFFF  }
0x77: {  	[sflag:s0] =	ssyncadd.tile.s32 @!p0 $0x1;
	_ =	shalt  }
.Lfunc_end2:
_tile_overlayer_lowered:
.L_overlay_start_2:
0x78: {  	(tag) =	ssettag $0x2  }
0x79: {  	s0 =	rddreg [dreg:$0x0];
	s2 =	stileid.u32  }
0x7a: {  	s1 =	rddreg [dreg:$0x1];
	p0 =	sne.s32 s2, $0x0  }
0x7b: {  	s3 =	rddreg [dreg:$0x2];
	[bflag:$0x3] =	sbarrier.arrive $0xFFFF;
	s2 =	simm.s32 @!p0 $0x1C02  }
0x7c: {  	[timem:s3], [sflag:s2] =	dma.local @!p0 [hbm:s0], s1  }
0x7d: {  	s0 =	simm.s32 @!p0 $0x2  }
0x7e: {  	_ =	swait.ge @!p0 [sflag:s0], s1  }
0x7f: {  	s1 =	ssub.s32 @!p0 $0x0, s1;
	[sflag:s0] =	ssyncset.done @!p0 $0x0  }
0x80: {  	[sflag:s0] =	ssyncadd.s32 @!p0 s1  }
0x81: {  	[bflag:$0x3] =	sbarrier.arrive $0xFFFF  }
0x82: {  	_ =	shalt  }

</sc_bundles>
